<compile_context>
chip_gen: v7x
topology: tpu7x:2x2x1
jax: 0.10.2.dev20260603
libtpu: 0.0.44.dev20260713+nightly
codegen_flags: <defaults>
</compile_context>

<pallas_src>
import functools

import jax
import jax.numpy as jnp
from jax import lax
from jax.experimental import pallas as pl
from jax.experimental.pallas import tpu as pltpu
from jax.experimental.pallas import tpu_sc as plsc

B = 16384
T = 200
S = 21
N = B * T
TR = T // 8
BC = B // 128

NUM_CORES = 2
NUM_SUBCORES = 16
NW = NUM_CORES * NUM_SUBCORES
NQ = BC // NW
NCHUNK = NQ * TR
NBUF = 5

_mesh = plsc.VectorSubcoreMesh(core_axis_name="c", subcore_axis_name="s")

_OUT_BUFS = [pltpu.VMEM((S, 1, 1, 8, 128), jnp.float32) for _ in range(NBUF)]
_X_BUFS = [pltpu.VMEM((1, 1, 8, 128), jnp.float32) for _ in range(NBUF)]
_SEMS = [pltpu.SemaphoreType.DMA for _ in range(2 * NBUF)]


@functools.partial(
    pl.kernel,
    mesh=_mesh,
    out_type=jax.ShapeDtypeStruct((S, TR, BC, 8, 128), jnp.float32),
    scratch_types=_OUT_BUFS + _X_BUFS + _SEMS,
    compiler_params=pltpu.CompilerParams(needs_layout_passes=False),
)
def _two_hot(x_hbm, out_hbm, *scratch):
    bufs = scratch[:NBUF]
    xbufs = scratch[NBUF : 2 * NBUF]
    osems = scratch[2 * NBUF : 3 * NBUF]
    xsems = scratch[3 * NBUF :]
    wid = lax.axis_index("s") * NUM_CORES + lax.axis_index("c")
    bc0 = wid * NQ

    iota = lax.iota(jnp.int32, 16)
    zeros = jnp.zeros((16,), jnp.float32)
    z0 = jnp.zeros((16,), jnp.int32)

    def x_slice(q, tr):
        return x_hbm.at[pl.ds(tr, 1), pl.ds(bc0 + q, 1)]

    def out_slice(q, tr):
        return out_hbm.at[:, pl.ds(tr, 1), pl.ds(bc0 + q, 1)]

    for sub in range(NBUF):
        pltpu.async_copy(x_slice(0, sub), xbufs[sub], xsems[sub])

    def process(cp, q, tr, sub):
        buf, xb = bufs[sub], xbufs[sub]

        pltpu.make_async_copy(x_slice(q, tr), xb, xsems[sub]).wait()

        @pl.when(cp > 0)
        def _drain():
            pltpu.make_async_copy(buf, out_slice(q, tr), osems[sub]).wait()

        def compute(i, c):
            t8s = lax.shift_right_logical(i, 3)
            c16 = lax.bitwise_and(i, 7) * 16
            b128 = c16 + iota
            xv = xb[0, 0, t8s, pl.ds(c16, 16)]
            xc = jnp.minimum(jnp.maximum(xv, 0.0), 20.0)
            lo = xc.astype(jnp.int32)
            frac = xc - lo.astype(jnp.float32)
            hi = jnp.minimum(lo + 1, S - 1)
            t8v = jnp.full((16,), t8s, jnp.int32)
            for k in range(S):
                buf[k, 0, 0, t8s, pl.ds(c16, 16)] = zeros
            plsc.store_scatter(buf, [hi, z0, z0, t8v, b128], frac)
            plsc.store_scatter(buf, [lo, z0, z0, t8v, b128], 1.0 - frac)
            return c

        lax.fori_loop(0, 64, compute, 0)

        pltpu.async_copy(buf, out_slice(q, tr), osems[sub])

        wrap = tr + NBUF >= TR
        q_pf = jnp.where(wrap, q + 1, q)
        tr_pf = jnp.where(wrap, tr + NBUF - TR, tr + NBUF)

        @pl.when(q_pf < NQ)
        def _prefetch():
            pltpu.async_copy(x_slice(q_pf, tr_pf), xb, xsems[sub])

    def incr(q, tr):
        last = tr == TR - 1
        return jnp.where(last, q + 1, q), jnp.where(last, 0, tr + 1)

    def group_body(cp, qt):
        q, tr = qt
        for sub in range(NBUF):
            process(cp, q, tr, sub)
            q, tr = incr(q, tr)
        return q, tr

    lax.fori_loop(0, NCHUNK // NBUF, group_body, (jnp.int32(0), jnp.int32(0)))

    for sub in range(NBUF):
        pltpu.make_async_copy(
            bufs[sub], out_hbm.at[:, pl.ds(0, 1), pl.ds(0, 1)], osems[sub]
        ).wait()


def kernel(x):
    xp = x.reshape(BC, 128, TR, 8).transpose(2, 0, 3, 1)
    out5 = _two_hot(xp)
    return out5.transpose(2, 4, 1, 3, 0).reshape(B, T, S)

# --- scband reference (transcript-rebuilt; emitter-appended) ---
"""Pipeline reference for scband-mu-zero-linear-net-87093346828385 (READ-ONLY COPY).

The authoritative reference and input builder live on the scoring server;
editing this copy changes nothing except your own understanding.
"""

import jax, jax.numpy as jnp
import numpy as np

VMIN = 0.0
VMAX = 20.0
SET_SIZE = 21


def setup_inputs(seed: int = 0) -> dict:
    key = jax.random.key(seed)
    # uniform values spanning the value support [0, 20]
    x = jax.random.uniform(key, (16384, 200), dtype=jnp.float32) * 20.0
    return {"x": x}


def reference(x):
    # Faithful translation of MuZeroLinearNet.value_phi -> _phi(x, 0, 20, 21):
    # two-hot / histogram-binning encoding of scalar targets onto a discrete support.
    x = jnp.clip(x, VMIN, VMAX)
    x_low = jnp.floor(x)
    x_high = jnp.ceil(x)
    p_high = x - x_low
    p_low = 1.0 - p_high
    B, T = x.shape
    bi = jnp.arange(B)[:, None]
    ti = jnp.arange(T)[None, :]
    hi_idx = (x_high - VMIN).astype(jnp.int32)
    lo_idx = (x_low - VMIN).astype(jnp.int32)
    target = jnp.zeros((B, T, SET_SIZE), dtype=jnp.float32)
    # torch scatter_ semantics: overwrite; high written first, then low
    # (so when hi_idx == lo_idx, the low write with p_low=1 wins, matching torch)
    target = target.at[bi, ti, hi_idx].set(p_high)
    target = target.at[bi, ti, lo_idx].set(p_low)
    return target

if __name__ == "__main__":
    import jax
    _d = setup_inputs()
    print(jax.jit(kernel)(*tuple(_d.values())))

</pallas_src>

<mosaic_0001>
#map = affine_map<(d0, d1) -> (0, 0, 0, 0)>
#map1 = affine_map<(d0, d1) -> (0, 0, 0, 0, 0)>
module attributes {stable_mosaic.version = 14 : i64} {
  func.func @_two_hot(%arg0: i32, %arg1: i32, %arg2: memref<25x128x8x128xf32, #tpu.memory_space<hbm>>, %arg3: memref<21x25x128x8x128xf32, #tpu.memory_space<hbm>>, %arg4: memref<21x1x1x8x128xf32, #tpu.memory_space<vmem>>, %arg5: memref<21x1x1x8x128xf32, #tpu.memory_space<vmem>>, %arg6: memref<21x1x1x8x128xf32, #tpu.memory_space<vmem>>, %arg7: memref<21x1x1x8x128xf32, #tpu.memory_space<vmem>>, %arg8: memref<21x1x1x8x128xf32, #tpu.memory_space<vmem>>, %arg9: memref<1x1x8x128xf32, #tpu.memory_space<vmem>>, %arg10: memref<1x1x8x128xf32, #tpu.memory_space<vmem>>, %arg11: memref<1x1x8x128xf32, #tpu.memory_space<vmem>>, %arg12: memref<1x1x8x128xf32, #tpu.memory_space<vmem>>, %arg13: memref<1x1x8x128xf32, #tpu.memory_space<vmem>>, %arg14: memref<!tpu.dma_semaphore, #tpu.memory_space<semaphore_mem>>, %arg15: memref<!tpu.dma_semaphore, #tpu.memory_space<semaphore_mem>>, %arg16: memref<!tpu.dma_semaphore, #tpu.memory_space<semaphore_mem>>, %arg17: memref<!tpu.dma_semaphore, #tpu.memory_space<semaphore_mem>>, %arg18: memref<!tpu.dma_semaphore, #tpu.memory_space<semaphore_mem>>, %arg19: memref<!tpu.dma_semaphore, #tpu.memory_space<semaphore_mem>>, %arg20: memref<!tpu.dma_semaphore, #tpu.memory_space<semaphore_mem>>, %arg21: memref<!tpu.dma_semaphore, #tpu.memory_space<semaphore_mem>>, %arg22: memref<!tpu.dma_semaphore, #tpu.memory_space<semaphore_mem>>, %arg23: memref<!tpu.dma_semaphore, #tpu.memory_space<semaphore_mem>>) attributes {dimension_semantics = [#tpu.dimension_semantics<core_parallel>, #tpu.dimension_semantics<subcore_parallel>], iteration_bounds = array<i64: 2, 16>, scalar_prefetch = 0 : i64, scratch_operands = 20 : i64, tpu.core_type = #tpu.core_type<sc_vector_subcore>, window_params = [{transform_indices = #map}, {transform_indices = #map1}]} {
    %mul3A = arith.constant 2 : i32
    %mul3A_0 = arith.muli %arg1, %mul3A : i32
    %add3A = arith.addi %mul3A_0, %arg0 : i32
    %mul3A_1 = arith.constant 4 : i32
    %mul3A_2 = arith.muli %add3A, %mul3A_1 : i32
    %iota3A = tpu.iota {dimensions = array<i32: 0>} : vector<16xi32>
    %broadcast_in_dim3A = arith.constant 0.000000e+00 : f32
    %broadcast_in_dim3A_3 = vector.broadcast %broadcast_in_dim3A : f32 to vector<16xf32>
    %broadcast_in_dim3A_4 = arith.constant 0 : i32
    %broadcast_in_dim3A_5 = vector.broadcast %broadcast_in_dim3A_4 : i32 to vector<16xi32>
    %add3A_6 = arith.constant 0 : i32
    %add3A_7 = arith.addi %mul3A_2, %add3A_6 : i32
    %dma_start3A = arith.constant 0 : i32
    %dma_start3A_8 = arith.constant 0 : i32
    %dma_start3A_9 = arith.constant 0 : i32
    %dma_start3A_10 = tpu.memref_slice %arg2[%dma_start3A, %add3A_7, %dma_start3A_8, %dma_start3A_9] : memref<25x128x8x128xf32, #tpu.memory_space<hbm>> -> memref<1x1x8x128xf32, #tpu.memory_space<hbm>>
    %dma_start3A_11 = arith.constant 0 : i32
    %dma_start3A_12 = arith.constant 0 : i32
    %dma_start3A_13 = arith.constant 0 : i32
    %dma_start3A_14 = tpu.memref_slice %arg2[%dma_start3A_11, %add3A_7, %dma_start3A_12, %dma_start3A_13] : memref<25x128x8x128xf32, #tpu.memory_space<hbm>> -> memref<1x1x8x128xf32, #tpu.memory_space<hbm>>
    tpu.enqueue_dma source(%dma_start3A_14 : memref<1x1x8x128xf32, #tpu.memory_space<hbm>>) target(%arg9 : memref<1x1x8x128xf32, #tpu.memory_space<vmem>>) target_semaphore(%arg19 : memref<!tpu.dma_semaphore, #tpu.memory_space<semaphore_mem>>)
    %add3A_15 = arith.constant 0 : i32
    %add3A_16 = arith.addi %mul3A_2, %add3A_15 : i32
    %dma_start3A_17 = arith.constant 1 : i32
    %dma_start3A_18 = arith.constant 0 : i32
    %dma_start3A_19 = arith.constant 0 : i32
    %dma_start3A_20 = tpu.memref_slice %arg2[%dma_start3A_17, %add3A_16, %dma_start3A_18, %dma_start3A_19] : memref<25x128x8x128xf32, #tpu.memory_space<hbm>> -> memref<1x1x8x128xf32, #tpu.memory_space<hbm>>
    %dma_start3A_21 = arith.constant 1 : i32
    %dma_start3A_22 = arith.constant 0 : i32
    %dma_start3A_23 = arith.constant 0 : i32
    %dma_start3A_24 = tpu.memref_slice %arg2[%dma_start3A_21, %add3A_16, %dma_start3A_22, %dma_start3A_23] : memref<25x128x8x128xf32, #tpu.memory_space<hbm>> -> memref<1x1x8x128xf32, #tpu.memory_space<hbm>>
    tpu.enqueue_dma source(%dma_start3A_24 : memref<1x1x8x128xf32, #tpu.memory_space<hbm>>) target(%arg10 : memref<1x1x8x128xf32, #tpu.memory_space<vmem>>) target_semaphore(%arg20 : memref<!tpu.dma_semaphore, #tpu.memory_space<semaphore_mem>>)
    %add3A_25 = arith.constant 0 : i32
    %add3A_26 = arith.addi %mul3A_2, %add3A_25 : i32
    %dma_start3A_27 = arith.constant 2 : i32
    %dma_start3A_28 = arith.constant 0 : i32
    %dma_start3A_29 = arith.constant 0 : i32
    %dma_start3A_30 = tpu.memref_slice %arg2[%dma_start3A_27, %add3A_26, %dma_start3A_28, %dma_start3A_29] : memref<25x128x8x128xf32, #tpu.memory_space<hbm>> -> memref<1x1x8x128xf32, #tpu.memory_space<hbm>>
    %dma_start3A_31 = arith.constant 2 : i32
    %dma_start3A_32 = arith.constant 0 : i32
    %dma_start3A_33 = arith.constant 0 : i32
    %dma_start3A_34 = tpu.memref_slice %arg2[%dma_start3A_31, %add3A_26, %dma_start3A_32, %dma_start3A_33] : memref<25x128x8x128xf32, #tpu.memory_space<hbm>> -> memref<1x1x8x128xf32, #tpu.memory_space<hbm>>
    tpu.enqueue_dma source(%dma_start3A_34 : memref<1x1x8x128xf32, #tpu.memory_space<hbm>>) target(%arg11 : memref<1x1x8x128xf32, #tpu.memory_space<vmem>>) target_semaphore(%arg21 : memref<!tpu.dma_semaphore, #tpu.memory_space<semaphore_mem>>)
    %add3A_35 = arith.constant 0 : i32
    %add3A_36 = arith.addi %mul3A_2, %add3A_35 : i32
    %dma_start3A_37 = arith.constant 3 : i32
    %dma_start3A_38 = arith.constant 0 : i32
    %dma_start3A_39 = arith.constant 0 : i32
    %dma_start3A_40 = tpu.memref_slice %arg2[%dma_start3A_37, %add3A_36, %dma_start3A_38, %dma_start3A_39] : memref<25x128x8x128xf32, #tpu.memory_space<hbm>> -> memref<1x1x8x128xf32, #tpu.memory_space<hbm>>
    %dma_start3A_41 = arith.constant 3 : i32
    %dma_start3A_42 = arith.constant 0 : i32
    %dma_start3A_43 = arith.constant 0 : i32
    %dma_start3A_44 = tpu.memref_slice %arg2[%dma_start3A_41, %add3A_36, %dma_start3A_42, %dma_start3A_43] : memref<25x128x8x128xf32, #tpu.memory_space<hbm>> -> memref<1x1x8x128xf32, #tpu.memory_space<hbm>>
    tpu.enqueue_dma source(%dma_start3A_44 : memref<1x1x8x128xf32, #tpu.memory_space<hbm>>) target(%arg12 : memref<1x1x8x128xf32, #tpu.memory_space<vmem>>) target_semaphore(%arg22 : memref<!tpu.dma_semaphore, #tpu.memory_space<semaphore_mem>>)
    %add3A_45 = arith.constant 0 : i32
    %add3A_46 = arith.addi %mul3A_2, %add3A_45 : i32
    %dma_start3A_47 = arith.constant 4 : i32
    %dma_start3A_48 = arith.constant 0 : i32
    %dma_start3A_49 = arith.constant 0 : i32
    %dma_start3A_50 = tpu.memref_slice %arg2[%dma_start3A_47, %add3A_46, %dma_start3A_48, %dma_start3A_49] : memref<25x128x8x128xf32, #tpu.memory_space<hbm>> -> memref<1x1x8x128xf32, #tpu.memory_space<hbm>>
    %dma_start3A_51 = arith.constant 4 : i32
    %dma_start3A_52 = arith.constant 0 : i32
    %dma_start3A_53 = arith.constant 0 : i32
    %dma_start3A_54 = tpu.memref_slice %arg2[%dma_start3A_51, %add3A_46, %dma_start3A_52, %dma_start3A_53] : memref<25x128x8x128xf32, #tpu.memory_space<hbm>> -> memref<1x1x8x128xf32, #tpu.memory_space<hbm>>
    tpu.enqueue_dma source(%dma_start3A_54 : memref<1x1x8x128xf32, #tpu.memory_space<hbm>>) target(%arg13 : memref<1x1x8x128xf32, #tpu.memory_space<vmem>>) target_semaphore(%arg23 : memref<!tpu.dma_semaphore, #tpu.memory_space<semaphore_mem>>)
    %scan3A = arith.constant 0 : i32
    %scan3A_55 = arith.constant 0 : i32
    %scan3A_56 = arith.constant 0 : i32
    %scan3A_57 = arith.constant 20 : i32
    %scan3A_58 = arith.addi %scan3A_56, %scan3A_57 : i32
    %scan3A_59 = arith.constant 1 : i32
    %scan3A_60:2 = scf.for %scan3A_121 = %scan3A_56 to %scan3A_58 step %scan3A_59 iter_args(%scan3A_122 = %scan3A, %scan3A_123 = %scan3A_55) -> (i32, i32)  : i32 {
      %add3A_124 = arith.addi %mul3A_2, %scan3A_122 : i32
      %dma_wait3A_125 = arith.constant 0 : i32
      %dma_wait3A_126 = arith.constant 0 : i32
      %dma_wait3A_127 = tpu.memref_slice %arg2[%scan3A_123, %add3A_124, %dma_wait3A_125, %dma_wait3A_126] : memref<25x128x8x128xf32, #tpu.memory_space<hbm>> -> memref<1x1x8x128xf32, #tpu.memory_space<hbm>>
      %dma_wait3A_128 = arith.constant 0 : i32
      %dma_wait3A_129 = arith.constant 0 : i32
      %dma_wait3A_130 = tpu.memref_slice %arg2[%scan3A_123, %add3A_124, %dma_wait3A_128, %dma_wait3A_129] : memref<25x128x8x128xf32, #tpu.memory_space<hbm>> -> memref<1x1x8x128xf32, #tpu.memory_space<hbm>>
      tpu.wait_dma2 semaphore(%arg19 : memref<!tpu.dma_semaphore, #tpu.memory_space<semaphore_mem>>) src(%dma_wait3A_130 : memref<1x1x8x128xf32, #tpu.memory_space<hbm>>) dst(%arg9 : memref<1x1x8x128xf32, #tpu.memory_space<vmem>>)
      %gt3A = arith.constant 0 : i32
      %gt3A_131 = arith.cmpi sgt, %scan3A_121, %gt3A : i32
      %convert_element_type3A = arith.extui %gt3A_131 : i1 to i32
      %cond3A = arith.constant 0 : i32
      %cond3A_132 = arith.cmpi ne, %convert_element_type3A, %cond3A : i32
      scf.if %cond3A_132 {
        %add3A_390 = arith.addi %mul3A_2, %scan3A_122 : i32
        %dma_wait3A_391 = arith.constant 0 : i32
        %dma_wait3A_392 = arith.constant 0 : i32
        %dma_wait3A_393 = arith.constant 0 : i32
        %dma_wait3A_394 = tpu.memref_slice %arg3[%dma_wait3A_391, %scan3A_123, %add3A_390, %dma_wait3A_392, %dma_wait3A_393] : memref<21x25x128x8x128xf32, #tpu.memory_space<hbm>> -> memref<21x1x1x8x128xf32, #tpu.memory_space<hbm>>
        %dma_wait3A_395 = arith.constant 0 : i32
        %dma_wait3A_396 = arith.constant 0 : i32
        %dma_wait3A_397 = arith.constant 0 : i32
        %dma_wait3A_398 = tpu.memref_slice %arg3[%dma_wait3A_395, %scan3A_123, %add3A_390, %dma_wait3A_396, %dma_wait3A_397] : memref<21x25x128x8x128xf32, #tpu.memory_space<hbm>> -> memref<21x1x1x8x128xf32, #tpu.memory_space<hbm>>
        tpu.wait_dma2 semaphore(%arg14 : memref<!tpu.dma_semaphore, #tpu.memory_space<semaphore_mem>>) src(%arg4 : memref<21x1x1x8x128xf32, #tpu.memory_space<vmem>>) dst(%dma_wait3A_398 : memref<21x1x1x8x128xf32, #tpu.memory_space<hbm>>)
      } else {
      }
      %scan3A_133 = arith.constant 0 : i32
      %scan3A_134 = arith.constant 0 : i32
      %scan3A_135 = arith.constant 64 : i32
      %scan3A_136 = arith.addi %scan3A_134, %scan3A_135 : i32
      %scan3A_137 = arith.constant 1 : i32
      scf.for %scan3A_390 = %scan3A_134 to %scan3A_136 step %scan3A_137  : i32 {
        %shift_right_logical3A = arith.constant 3 : i32
        %shift_right_logical3A_391 = arith.shrui %scan3A_390, %shift_right_logical3A : i32
        %and3A = arith.constant 7 : i32
        %and3A_392 = arith.andi %scan3A_390, %and3A : i32
        %mul3A_393 = arith.constant 16 : i32
        %mul3A_394 = arith.muli %and3A_392, %mul3A_393 : i32
        %add3A_395 = vector.broadcast %mul3A_394 : i32 to vector<16xi32>
        %add3A_396 = arith.addi %add3A_395, %iota3A : vector<16xi32>
        %get3A = arith.constant 0 : i32
        %get3A_397 = arith.constant 0 : i32
        %get3A_398 = arith.index_cast %get3A : i32 to index
        %get3A_399 = arith.index_cast %get3A_397 : i32 to index
        %get3A_400 = arith.index_cast %shift_right_logical3A_391 : i32 to index
        %get3A_401 = arith.index_cast %mul3A_394 : i32 to index
        %get3A_402 = tpu.vector_load %arg9[%get3A_398, %get3A_399, %get3A_400, %get3A_401] {strides = array<i32>} : memref<1x1x8x128xf32, #tpu.memory_space<vmem>>, vector<16xf32>,
        %max3A = arith.constant 0.000000e+00 : f32
        %max3A_403 = vector.broadcast %max3A : f32 to vector<16xf32>
        %max3A_404 = arith.maximumf %get3A_402, %max3A_403 : vector<16xf32>
        %min3A = arith.constant 2.000000e+01 : f32
        %min3A_405 = vector.broadcast %min3A : f32 to vector<16xf32>
        %min3A_406 = arith.minimumf %max3A_404, %min3A_405 : vector<16xf32>
        %convert_element_type3A_407 = arith.fptosi %min3A_406 : vector<16xf32> to vector<16xi32>
        %convert_element_type3A_408 = arith.sitofp %convert_element_type3A_407 : vector<16xi32> to vector<16xf32>
        %sub3A_409 = arith.subf %min3A_406, %convert_element_type3A_408 : vector<16xf32>
        %add3A_410 = arith.constant 1 : i32
        %add3A_411 = vector.broadcast %add3A_410 : i32 to vector<16xi32>
        %add3A_412 = arith.addi %convert_element_type3A_407, %add3A_411 : vector<16xi32>
        %min3A_413 = arith.constant 20 : i32
        %min3A_414 = vector.broadcast %min3A_413 : i32 to vector<16xi32>
        %min3A_415 = arith.minsi %add3A_412, %min3A_414 : vector<16xi32>
        %broadcast_in_dim3A_416 = vector.broadcast %shift_right_logical3A_391 : i32 to vector<16xi32>
        %swap3A = arith.constant 0 : i32
        %swap3A_417 = arith.constant 0 : i32
        %swap3A_418 = arith.constant 0 : i32
        %swap3A_419 = arith.index_cast %swap3A : i32 to index
        %swap3A_420 = arith.index_cast %swap3A_417 : i32 to index
        %swap3A_421 = arith.index_cast %swap3A_418 : i32 to index
        %swap3A_422 = arith.index_cast %shift_right_logical3A_391 : i32 to index
        %swap3A_423 = arith.index_cast %mul3A_394 : i32 to index
        %swap3A_424 = tpu.vector_load %arg4[%swap3A_419, %swap3A_420, %swap3A_421, %swap3A_422, %swap3A_423] {strides = array<i32>} : memref<21x1x1x8x128xf32, #tpu.memory_space<vmem>>, vector<16xf32>,
        tpu.vector_store %arg4[%swap3A_419, %swap3A_420, %swap3A_421, %swap3A_422, %swap3A_423], %broadcast_in_dim3A_3 {strides = array<i32>} : memref<21x1x1x8x128xf32, #tpu.memory_space<vmem>>, vector<16xf32>,
        %swap3A_425 = arith.constant 1 : i32
        %swap3A_426 = arith.constant 0 : i32
        %swap3A_427 = arith.constant 0 : i32
        %swap3A_428 = arith.index_cast %swap3A_425 : i32 to index
        %swap3A_429 = arith.index_cast %swap3A_426 : i32 to index
        %swap3A_430 = arith.index_cast %swap3A_427 : i32 to index
        %swap3A_431 = arith.index_cast %shift_right_logical3A_391 : i32 to index
        %swap3A_432 = arith.index_cast %mul3A_394 : i32 to index
        %swap3A_433 = tpu.vector_load %arg4[%swap3A_428, %swap3A_429, %swap3A_430, %swap3A_431, %swap3A_432] {strides = array<i32>} : memref<21x1x1x8x128xf32, #tpu.memory_space<vmem>>, vector<16xf32>,
        tpu.vector_store %arg4[%swap3A_428, %swap3A_429, %swap3A_430, %swap3A_431, %swap3A_432], %broadcast_in_dim3A_3 {strides = array<i32>} : memref<21x1x1x8x128xf32, #tpu.memory_space<vmem>>, vector<16xf32>,
        %swap3A_434 = arith.constant 2 : i32
        %swap3A_435 = arith.constant 0 : i32
        %swap3A_436 = arith.constant 0 : i32
        %swap3A_437 = arith.index_cast %swap3A_434 : i32 to index
        %swap3A_438 = arith.index_cast %swap3A_435 : i32 to index
        %swap3A_439 = arith.index_cast %swap3A_436 : i32 to index
        %swap3A_440 = arith.index_cast %shift_right_logical3A_391 : i32 to index
        %swap3A_441 = arith.index_cast %mul3A_394 : i32 to index
        %swap3A_442 = tpu.vector_load %arg4[%swap3A_437, %swap3A_438, %swap3A_439, %swap3A_440, %swap3A_441] {strides = array<i32>} : memref<21x1x1x8x128xf32, #tpu.memory_space<vmem>>, vector<16xf32>,
        tpu.vector_store %arg4[%swap3A_437, %swap3A_438, %swap3A_439, %swap3A_440, %swap3A_441], %broadcast_in_dim3A_3 {strides = array<i32>} : memref<21x1x1x8x128xf32, #tpu.memory_space<vmem>>, vector<16xf32>,
        %swap3A_443 = arith.constant 3 : i32
        %swap3A_444 = arith.constant 0 : i32
        %swap3A_445 = arith.constant 0 : i32
        %swap3A_446 = arith.index_cast %swap3A_443 : i32 to index
        %swap3A_447 = arith.index_cast %swap3A_444 : i32 to index
        %swap3A_448 = arith.index_cast %swap3A_445 : i32 to index
        %swap3A_449 = arith.index_cast %shift_right_logical3A_391 : i32 to index
        %swap3A_450 = arith.index_cast %mul3A_394 : i32 to index
        %swap3A_451 = tpu.vector_load %arg4[%swap3A_446, %swap3A_447, %swap3A_448, %swap3A_449, %swap3A_450] {strides = array<i32>} : memref<21x1x1x8x128xf32, #tpu.memory_space<vmem>>, vector<16xf32>,
        tpu.vector_store %arg4[%swap3A_446, %swap3A_447, %swap3A_448, %swap3A_449, %swap3A_450], %broadcast_in_dim3A_3 {strides = array<i32>} : memref<21x1x1x8x128xf32, #tpu.memory_space<vmem>>, vector<16xf32>,
        %swap3A_452 = arith.constant 4 : i32
        %swap3A_453 = arith.constant 0 : i32
        %swap3A_454 = arith.constant 0 : i32
        %swap3A_455 = arith.index_cast %swap3A_452 : i32 to index
        %swap3A_456 = arith.index_cast %swap3A_453 : i32 to index
        %swap3A_457 = arith.index_cast %swap3A_454 : i32 to index
        %swap3A_458 = arith.index_cast %shift_right_logical3A_391 : i32 to index
        %swap3A_459 = arith.index_cast %mul3A_394 : i32 to index
        %swap3A_460 = tpu.vector_load %arg4[%swap3A_455, %swap3A_456, %swap3A_457, %swap3A_458, %swap3A_459] {strides = array<i32>} : memref<21x1x1x8x128xf32, #tpu.memory_space<vmem>>, vector<16xf32>,
        tpu.vector_store %arg4[%swap3A_455, %swap3A_456, %swap3A_457, %swap3A_458, %swap3A_459], %broadcast_in_dim3A_3 {strides = array<i32>} : memref<21x1x1x8x128xf32, #tpu.memory_space<vmem>>, vector<16xf32>,
        %swap3A_461 = arith.constant 5 : i32
        %swap3A_462 = arith.constant 0 : i32
        %swap3A_463 = arith.constant 0 : i32
        %swap3A_464 = arith.index_cast %swap3A_461 : i32 to index
        %swap3A_465 = arith.index_cast %swap3A_462 : i32 to index
        %swap3A_466 = arith.index_cast %swap3A_463 : i32 to index
        %swap3A_467 = arith.index_cast %shift_right_logical3A_391 : i32 to index
        %swap3A_468 = arith.index_cast %mul3A_394 : i32 to index
        %swap3A_469 = tpu.vector_load %arg4[%swap3A_464, %swap3A_465, %swap3A_466, %swap3A_467, %swap3A_468] {strides = array<i32>} : memref<21x1x1x8x128xf32, #tpu.memory_space<vmem>>, vector<16xf32>,
        tpu.vector_store %arg4[%swap3A_464, %swap3A_465, %swap3A_466, %swap3A_467, %swap3A_468], %broadcast_in_dim3A_3 {strides = array<i32>} : memref<21x1x1x8x128xf32, #tpu.memory_space<vmem>>, vector<16xf32>,
        %swap3A_470 = arith.constant 6 : i32
        %swap3A_471 = arith.constant 0 : i32
        %swap3A_472 = arith.constant 0 : i32
        %swap3A_473 = arith.index_cast %swap3A_470 : i32 to index
        %swap3A_474 = arith.index_cast %swap3A_471 : i32 to index
        %swap3A_475 = arith.index_cast %swap3A_472 : i32 to index
        %swap3A_476 = arith.index_cast %shift_right_logical3A_391 : i32 to index
        %swap3A_477 = arith.index_cast %mul3A_394 : i32 to index
        %swap3A_478 = tpu.vector_load %arg4[%swap3A_473, %swap3A_474, %swap3A_475, %swap3A_476, %swap3A_477] {strides = array<i32>} : memref<21x1x1x8x128xf32, #tpu.memory_space<vmem>>, vector<16xf32>,
        tpu.vector_store %arg4[%swap3A_473, %swap3A_474, %swap3A_475, %swap3A_476, %swap3A_477], %broadcast_in_dim3A_3 {strides = array<i32>} : memref<21x1x1x8x128xf32, #tpu.memory_space<vmem>>, vector<16xf32>,
        %swap3A_479 = arith.constant 7 : i32
        %swap3A_480 = arith.constant 0 : i32
        %swap3A_481 = arith.constant 0 : i32
        %swap3A_482 = arith.index_cast %swap3A_479 : i32 to index
        %swap3A_483 = arith.index_cast %swap3A_480 : i32 to index
        %swap3A_484 = arith.index_cast %swap3A_481 : i32 to index
        %swap3A_485 = arith.index_cast %shift_right_logical3A_391 : i32 to index
        %swap3A_486 = arith.index_cast %mul3A_394 : i32 to index
        %swap3A_487 = tpu.vector_load %arg4[%swap3A_482, %swap3A_483, %swap3A_484, %swap3A_485, %swap3A_486] {strides = array<i32>} : memref<21x1x1x8x128xf32, #tpu.memory_space<vmem>>, vector<16xf32>,
        tpu.vector_store %arg4[%swap3A_482, %swap3A_483, %swap3A_484, %swap3A_485, %swap3A_486], %broadcast_in_dim3A_3 {strides = array<i32>} : memref<21x1x1x8x128xf32, #tpu.memory_space<vmem>>, vector<16xf32>,
        %swap3A_488 = arith.constant 8 : i32
        %swap3A_489 = arith.constant 0 : i32
        %swap3A_490 = arith.constant 0 : i32
        %swap3A_491 = arith.index_cast %swap3A_488 : i32 to index
        %swap3A_492 = arith.index_cast %swap3A_489 : i32 to index
        %swap3A_493 = arith.index_cast %swap3A_490 : i32 to index
        %swap3A_494 = arith.index_cast %shift_right_logical3A_391 : i32 to index
        %swap3A_495 = arith.index_cast %mul3A_394 : i32 to index
        %swap3A_496 = tpu.vector_load %arg4[%swap3A_491, %swap3A_492, %swap3A_493, %swap3A_494, %swap3A_495] {strides = array<i32>} : memref<21x1x1x8x128xf32, #tpu.memory_space<vmem>>, vector<16xf32>,
        tpu.vector_store %arg4[%swap3A_491, %swap3A_492, %swap3A_493, %swap3A_494, %swap3A_495], %broadcast_in_dim3A_3 {strides = array<i32>} : memref<21x1x1x8x128xf32, #tpu.memory_space<vmem>>, vector<16xf32>,
        %swap3A_497 = arith.constant 9 : i32
        %swap3A_498 = arith.constant 0 : i32
        %swap3A_499 = arith.constant 0 : i32
        %swap3A_500 = arith.index_cast %swap3A_497 : i32 to index
        %swap3A_501 = arith.index_cast %swap3A_498 : i32 to index
        %swap3A_502 = arith.index_cast %swap3A_499 : i32 to index
        %swap3A_503 = arith.index_cast %shift_right_logical3A_391 : i32 to index
        %swap3A_504 = arith.index_cast %mul3A_394 : i32 to index
        %swap3A_505 = tpu.vector_load %arg4[%swap3A_500, %swap3A_501, %swap3A_502, %swap3A_503, %swap3A_504] {strides = array<i32>} : memref<21x1x1x8x128xf32, #tpu.memory_space<vmem>>, vector<16xf32>,
        tpu.vector_store %arg4[%swap3A_500, %swap3A_501, %swap3A_502, %swap3A_503, %swap3A_504], %broadcast_in_dim3A_3 {strides = array<i32>} : memref<21x1x1x8x128xf32, #tpu.memory_space<vmem>>, vector<16xf32>,
        %swap3A_506 = arith.constant 10 : i32
        %swap3A_507 = arith.constant 0 : i32
        %swap3A_508 = arith.constant 0 : i32
        %swap3A_509 = arith.index_cast %swap3A_506 : i32 to index
        %swap3A_510 = arith.index_cast %swap3A_507 : i32 to index
        %swap3A_511 = arith.index_cast %swap3A_508 : i32 to index
        %swap3A_512 = arith.index_cast %shift_right_logical3A_391 : i32 to index
        %swap3A_513 = arith.index_cast %mul3A_394 : i32 to index
        %swap3A_514 = tpu.vector_load %arg4[%swap3A_509, %swap3A_510, %swap3A_511, %swap3A_512, %swap3A_513] {strides = array<i32>} : memref<21x1x1x8x128xf32, #tpu.memory_space<vmem>>, vector<16xf32>,
        tpu.vector_store %arg4[%swap3A_509, %swap3A_510, %swap3A_511, %swap3A_512, %swap3A_513], %broadcast_in_dim3A_3 {strides = array<i32>} : memref<21x1x1x8x128xf32, #tpu.memory_space<vmem>>, vector<16xf32>,
        %swap3A_515 = arith.constant 11 : i32
        %swap3A_516 = arith.constant 0 : i32
        %swap3A_517 = arith.constant 0 : i32
        %swap3A_518 = arith.index_cast %swap3A_515 : i32 to index
        %swap3A_519 = arith.index_cast %swap3A_516 : i32 to index
        %swap3A_520 = arith.index_cast %swap3A_517 : i32 to index
        %swap3A_521 = arith.index_cast %shift_right_logical3A_391 : i32 to index
        %swap3A_522 = arith.index_cast %mul3A_394 : i32 to index
        %swap3A_523 = tpu.vector_load %arg4[%swap3A_518, %swap3A_519, %swap3A_520, %swap3A_521, %swap3A_522] {strides = array<i32>} : memref<21x1x1x8x128xf32, #tpu.memory_space<vmem>>, vector<16xf32>,
        tpu.vector_store %arg4[%swap3A_518, %swap3A_519, %swap3A_520, %swap3A_521, %swap3A_522], %broadcast_in_dim3A_3 {strides = array<i32>} : memref<21x1x1x8x128xf32, #tpu.memory_space<vmem>>, vector<16xf32>,
        %swap3A_524 = arith.constant 12 : i32
        %swap3A_525 = arith.constant 0 : i32
        %swap3A_526 = arith.constant 0 : i32
        %swap3A_527 = arith.index_cast %swap3A_524 : i32 to index
        %swap3A_528 = arith.index_cast %swap3A_525 : i32 to index
        %swap3A_529 = arith.index_cast %swap3A_526 : i32 to index
        %swap3A_530 = arith.index_cast %shift_right_logical3A_391 : i32 to index
        %swap3A_531 = arith.index_cast %mul3A_394 : i32 to index
        %swap3A_532 = tpu.vector_load %arg4[%swap3A_527, %swap3A_528, %swap3A_529, %swap3A_530, %swap3A_531] {strides = array<i32>} : memref<21x1x1x8x128xf32, #tpu.memory_space<vmem>>, vector<16xf32>,
        tpu.vector_store %arg4[%swap3A_527, %swap3A_528, %swap3A_529, %swap3A_530, %swap3A_531], %broadcast_in_dim3A_3 {strides = array<i32>} : memref<21x1x1x8x128xf32, #tpu.memory_space<vmem>>, vector<16xf32>,
        %swap3A_533 = arith.constant 13 : i32
        %swap3A_534 = arith.constant 0 : i32
        %swap3A_535 = arith.constant 0 : i32
        %swap3A_536 = arith.index_cast %swap3A_533 : i32 to index
        %swap3A_537 = arith.index_cast %swap3A_534 : i32 to index
        %swap3A_538 = arith.index_cast %swap3A_535 : i32 to index
        %swap3A_539 = arith.index_cast %shift_right_logical3A_391 : i32 to index
        %swap3A_540 = arith.index_cast %mul3A_394 : i32 to index
        %swap3A_541 = tpu.vector_load %arg4[%swap3A_536, %swap3A_537, %swap3A_538, %swap3A_539, %swap3A_540] {strides = array<i32>} : memref<21x1x1x8x128xf32, #tpu.memory_space<vmem>>, vector<16xf32>,
        tpu.vector_store %arg4[%swap3A_536, %swap3A_537, %swap3A_538, %swap3A_539, %swap3A_540], %broadcast_in_dim3A_3 {strides = array<i32>} : memref<21x1x1x8x128xf32, #tpu.memory_space<vmem>>, vector<16xf32>,
        %swap3A_542 = arith.constant 14 : i32
        %swap3A_543 = arith.constant 0 : i32
        %swap3A_544 = arith.constant 0 : i32
        %swap3A_545 = arith.index_cast %swap3A_542 : i32 to index
        %swap3A_546 = arith.index_cast %swap3A_543 : i32 to index
        %swap3A_547 = arith.index_cast %swap3A_544 : i32 to index
        %swap3A_548 = arith.index_cast %shift_right_logical3A_391 : i32 to index
        %swap3A_549 = arith.index_cast %mul3A_394 : i32 to index
        %swap3A_550 = tpu.vector_load %arg4[%swap3A_545, %swap3A_546, %swap3A_547, %swap3A_548, %swap3A_549] {strides = array<i32>} : memref<21x1x1x8x128xf32, #tpu.memory_space<vmem>>, vector<16xf32>,
        tpu.vector_store %arg4[%swap3A_545, %swap3A_546, %swap3A_547, %swap3A_548, %swap3A_549], %broadcast_in_dim3A_3 {strides = array<i32>} : memref<21x1x1x8x128xf32, #tpu.memory_space<vmem>>, vector<16xf32>,
        %swap3A_551 = arith.constant 15 : i32
        %swap3A_552 = arith.constant 0 : i32
        %swap3A_553 = arith.constant 0 : i32
        %swap3A_554 = arith.index_cast %swap3A_551 : i32 to index
        %swap3A_555 = arith.index_cast %swap3A_552 : i32 to index
        %swap3A_556 = arith.index_cast %swap3A_553 : i32 to index
        %swap3A_557 = arith.index_cast %shift_right_logical3A_391 : i32 to index
        %swap3A_558 = arith.index_cast %mul3A_394 : i32 to index
        %swap3A_559 = tpu.vector_load %arg4[%swap3A_554, %swap3A_555, %swap3A_556, %swap3A_557, %swap3A_558] {strides = array<i32>} : memref<21x1x1x8x128xf32, #tpu.memory_space<vmem>>, vector<16xf32>,
        tpu.vector_store %arg4[%swap3A_554, %swap3A_555, %swap3A_556, %swap3A_557, %swap3A_558], %broadcast_in_dim3A_3 {strides = array<i32>} : memref<21x1x1x8x128xf32, #tpu.memory_space<vmem>>, vector<16xf32>,
        %swap3A_560 = arith.constant 16 : i32
        %swap3A_561 = arith.constant 0 : i32
        %swap3A_562 = arith.constant 0 : i32
        %swap3A_563 = arith.index_cast %swap3A_560 : i32 to index
        %swap3A_564 = arith.index_cast %swap3A_561 : i32 to index
        %swap3A_565 = arith.index_cast %swap3A_562 : i32 to index
        %swap3A_566 = arith.index_cast %shift_right_logical3A_391 : i32 to index
        %swap3A_567 = arith.index_cast %mul3A_394 : i32 to index
        %swap3A_568 = tpu.vector_load %arg4[%swap3A_563, %swap3A_564, %swap3A_565, %swap3A_566, %swap3A_567] {strides = array<i32>} : memref<21x1x1x8x128xf32, #tpu.memory_space<vmem>>, vector<16xf32>,
        tpu.vector_store %arg4[%swap3A_563, %swap3A_564, %swap3A_565, %swap3A_566, %swap3A_567], %broadcast_in_dim3A_3 {strides = array<i32>} : memref<21x1x1x8x128xf32, #tpu.memory_space<vmem>>, vector<16xf32>,
        %swap3A_569 = arith.constant 17 : i32
        %swap3A_570 = arith.constant 0 : i32
        %swap3A_571 = arith.constant 0 : i32
        %swap3A_572 = arith.index_cast %swap3A_569 : i32 to index
        %swap3A_573 = arith.index_cast %swap3A_570 : i32 to index
        %swap3A_574 = arith.index_cast %swap3A_571 : i32 to index
        %swap3A_575 = arith.index_cast %shift_right_logical3A_391 : i32 to index
        %swap3A_576 = arith.index_cast %mul3A_394 : i32 to index
        %swap3A_577 = tpu.vector_load %arg4[%swap3A_572, %swap3A_573, %swap3A_574, %swap3A_575, %swap3A_576] {strides = array<i32>} : memref<21x1x1x8x128xf32, #tpu.memory_space<vmem>>, vector<16xf32>,
        tpu.vector_store %arg4[%swap3A_572, %swap3A_573, %swap3A_574, %swap3A_575, %swap3A_576], %broadcast_in_dim3A_3 {strides = array<i32>} : memref<21x1x1x8x128xf32, #tpu.memory_space<vmem>>, vector<16xf32>,
        %swap3A_578 = arith.constant 18 : i32
        %swap3A_579 = arith.constant 0 : i32
        %swap3A_580 = arith.constant 0 : i32
        %swap3A_581 = arith.index_cast %swap3A_578 : i32 to index
        %swap3A_582 = arith.index_cast %swap3A_579 : i32 to index
        %swap3A_583 = arith.index_cast %swap3A_580 : i32 to index
        %swap3A_584 = arith.index_cast %shift_right_logical3A_391 : i32 to index
        %swap3A_585 = arith.index_cast %mul3A_394 : i32 to index
        %swap3A_586 = tpu.vector_load %arg4[%swap3A_581, %swap3A_582, %swap3A_583, %swap3A_584, %swap3A_585] {strides = array<i32>} : memref<21x1x1x8x128xf32, #tpu.memory_space<vmem>>, vector<16xf32>,
        tpu.vector_store %arg4[%swap3A_581, %swap3A_582, %swap3A_583, %swap3A_584, %swap3A_585], %broadcast_in_dim3A_3 {strides = array<i32>} : memref<21x1x1x8x128xf32, #tpu.memory_space<vmem>>, vector<16xf32>,
        %swap3A_587 = arith.constant 19 : i32
        %swap3A_588 = arith.constant 0 : i32
        %swap3A_589 = arith.constant 0 : i32
        %swap3A_590 = arith.index_cast %swap3A_587 : i32 to index
        %swap3A_591 = arith.index_cast %swap3A_588 : i32 to index
        %swap3A_592 = arith.index_cast %swap3A_589 : i32 to index
        %swap3A_593 = arith.index_cast %shift_right_logical3A_391 : i32 to index
        %swap3A_594 = arith.index_cast %mul3A_394 : i32 to index
        %swap3A_595 = tpu.vector_load %arg4[%swap3A_590, %swap3A_591, %swap3A_592, %swap3A_593, %swap3A_594] {strides = array<i32>} : memref<21x1x1x8x128xf32, #tpu.memory_space<vmem>>, vector<16xf32>,
        tpu.vector_store %arg4[%swap3A_590, %swap3A_591, %swap3A_592, %swap3A_593, %swap3A_594], %broadcast_in_dim3A_3 {strides = array<i32>} : memref<21x1x1x8x128xf32, #tpu.memory_space<vmem>>, vector<16xf32>,
        %swap3A_596 = arith.constant 20 : i32
        %swap3A_597 = arith.constant 0 : i32
        %swap3A_598 = arith.constant 0 : i32
        %swap3A_599 = arith.index_cast %swap3A_596 : i32 to index
        %swap3A_600 = arith.index_cast %swap3A_597 : i32 to index
        %swap3A_601 = arith.index_cast %swap3A_598 : i32 to index
        %swap3A_602 = arith.index_cast %shift_right_logical3A_391 : i32 to index
        %swap3A_603 = arith.index_cast %mul3A_394 : i32 to index
        %swap3A_604 = tpu.vector_load %arg4[%swap3A_599, %swap3A_600, %swap3A_601, %swap3A_602, %swap3A_603] {strides = array<i32>} : memref<21x1x1x8x128xf32, #tpu.memory_space<vmem>>, vector<16xf32>,
        tpu.vector_store %arg4[%swap3A_599, %swap3A_600, %swap3A_601, %swap3A_602, %swap3A_603], %broadcast_in_dim3A_3 {strides = array<i32>} : memref<21x1x1x8x128xf32, #tpu.memory_space<vmem>>, vector<16xf32>,
        tpu.vector_store_idx %arg4[%min3A_415, %broadcast_in_dim3A_5, %broadcast_in_dim3A_5, %broadcast_in_dim3A_416, %add3A_396], %sub3A_409 : memref<21x1x1x8x128xf32, #tpu.memory_space<vmem>>[vector<16xi32>, vector<16xi32>, vector<16xi32>, vector<16xi32>, vector<16xi32>], vector<16xf32>,
        %sub3A_605 = arith.constant 1.000000e+00 : f32
        %sub3A_606 = vector.broadcast %sub3A_605 : f32 to vector<16xf32>
        %sub3A_607 = arith.subf %sub3A_606, %sub3A_409 : vector<16xf32>
        tpu.vector_store_idx %arg4[%convert_element_type3A_407, %broadcast_in_dim3A_5, %broadcast_in_dim3A_5, %broadcast_in_dim3A_416, %add3A_396], %sub3A_607 : memref<21x1x1x8x128xf32, #tpu.memory_space<vmem>>[vector<16xi32>, vector<16xi32>, vector<16xi32>, vector<16xi32>, vector<16xi32>], vector<16xf32>,
      }
      %scan3A_138 = arith.constant 64 : i32
      %add3A_139 = arith.addi %mul3A_2, %scan3A_122 : i32
      %dma_start3A_140 = arith.constant 0 : i32
      %dma_start3A_141 = arith.constant 0 : i32
      %dma_start3A_142 = arith.constant 0 : i32
      %dma_start3A_143 = tpu.memref_slice %arg3[%dma_start3A_140, %scan3A_123, %add3A_139, %dma_start3A_141, %dma_start3A_142] : memref<21x25x128x8x128xf32, #tpu.memory_space<hbm>> -> memref<21x1x1x8x128xf32, #tpu.memory_space<hbm>>
      %dma_start3A_144 = arith.constant 0 : i32
      %dma_start3A_145 = arith.constant 0 : i32
      %dma_start3A_146 = arith.constant 0 : i32
      %dma_start3A_147 = tpu.memref_slice %arg3[%dma_start3A_144, %scan3A_123, %add3A_139, %dma_start3A_145, %dma_start3A_146] : memref<21x25x128x8x128xf32, #tpu.memory_space<hbm>> -> memref<21x1x1x8x128xf32, #tpu.memory_space<hbm>>
      tpu.enqueue_dma source(%arg4 : memref<21x1x1x8x128xf32, #tpu.memory_space<vmem>>) target(%dma_start3A_147 : memref<21x1x1x8x128xf32, #tpu.memory_space<hbm>>) target_semaphore(%arg14 : memref<!tpu.dma_semaphore, #tpu.memory_space<semaphore_mem>>)
      %add3A_148 = arith.constant 5 : i32
      %add3A_149 = arith.addi %scan3A_123, %add3A_148 : i32
      %ge3A = arith.constant 25 : i32
      %ge3A_150 = arith.cmpi sge, %add3A_149, %ge3A : i32
      %add3A_151 = arith.constant 1 : i32
      %add3A_152 = arith.addi %scan3A_122, %add3A_151 : i32
      %select_n3A = arith.select %ge3A_150, %add3A_152, %scan3A_122 : i32
      %add3A_153 = arith.constant 5 : i32
      %add3A_154 = arith.addi %scan3A_123, %add3A_153 : i32
      %sub3A = arith.constant 25 : i32
      %sub3A_155 = arith.subi %add3A_154, %sub3A : i32
      %add3A_156 = arith.constant 5 : i32
      %add3A_157 = arith.addi %scan3A_123, %add3A_156 : i32
      %select_n3A_158 = arith.select %ge3A_150, %sub3A_155, %add3A_157 : i32
      %lt3A = arith.constant 4 : i32
      %lt3A_159 = arith.cmpi slt, %select_n3A, %lt3A : i32
      %convert_element_type3A_160 = arith.extui %lt3A_159 : i1 to i32
      %cond3A_161 = arith.constant 0 : i32
      %cond3A_162 = arith.cmpi ne, %convert_element_type3A_160, %cond3A_161 : i32
      scf.if %cond3A_162 {
        %add3A_390 = arith.addi %mul3A_2, %select_n3A : i32
        %dma_start3A_391 = arith.constant 0 : i32
        %dma_start3A_392 = arith.constant 0 : i32
        %dma_start3A_393 = tpu.memref_slice %arg2[%select_n3A_158, %add3A_390, %dma_start3A_391, %dma_start3A_392] : memref<25x128x8x128xf32, #tpu.memory_space<hbm>> -> memref<1x1x8x128xf32, #tpu.memory_space<hbm>>
        %dma_start3A_394 = arith.constant 0 : i32
        %dma_start3A_395 = arith.constant 0 : i32
        %dma_start3A_396 = tpu.memref_slice %arg2[%select_n3A_158, %add3A_390, %dma_start3A_394, %dma_start3A_395] : memref<25x128x8x128xf32, #tpu.memory_space<hbm>> -> memref<1x1x8x128xf32, #tpu.memory_space<hbm>>
        tpu.enqueue_dma source(%dma_start3A_396 : memref<1x1x8x128xf32, #tpu.memory_space<hbm>>) target(%arg9 : memref<1x1x8x128xf32, #tpu.memory_space<vmem>>) target_semaphore(%arg19 : memref<!tpu.dma_semaphore, #tpu.memory_space<semaphore_mem>>)
      } else {
      }
      %eq3A = arith.constant 24 : i32
      %eq3A_163 = arith.cmpi eq, %scan3A_123, %eq3A : i32
      %add3A_164 = arith.constant 1 : i32
      %add3A_165 = arith.addi %scan3A_122, %add3A_164 : i32
      %select_n3A_166 = arith.select %eq3A_163, %add3A_165, %scan3A_122 : i32
      %add3A_167 = arith.constant 1 : i32
      %add3A_168 = arith.addi %scan3A_123, %add3A_167 : i32
      %jit3A = arith.constant 0 : i32
      %select_n3A_169 = arith.select %eq3A_163, %jit3A, %add3A_168 : i32
      %add3A_170 = arith.addi %mul3A_2, %select_n3A_166 : i32
      %dma_wait3A_171 = arith.constant 0 : i32
      %dma_wait3A_172 = arith.constant 0 : i32
      %dma_wait3A_173 = tpu.memref_slice %arg2[%select_n3A_169, %add3A_170, %dma_wait3A_171, %dma_wait3A_172] : memref<25x128x8x128xf32, #tpu.memory_space<hbm>> -> memref<1x1x8x128xf32, #tpu.memory_space<hbm>>
      %dma_wait3A_174 = arith.constant 0 : i32
      %dma_wait3A_175 = arith.constant 0 : i32
      %dma_wait3A_176 = tpu.memref_slice %arg2[%select_n3A_169, %add3A_170, %dma_wait3A_174, %dma_wait3A_175] : memref<25x128x8x128xf32, #tpu.memory_space<hbm>> -> memref<1x1x8x128xf32, #tpu.memory_space<hbm>>
      tpu.wait_dma2 semaphore(%arg20 : memref<!tpu.dma_semaphore, #tpu.memory_space<semaphore_mem>>) src(%dma_wait3A_176 : memref<1x1x8x128xf32, #tpu.memory_space<hbm>>) dst(%arg10 : memref<1x1x8x128xf32, #tpu.memory_space<vmem>>)
      %gt3A_177 = arith.constant 0 : i32
      %gt3A_178 = arith.cmpi sgt, %scan3A_121, %gt3A_177 : i32
      %convert_element_type3A_179 = arith.extui %gt3A_178 : i1 to i32
      %cond3A_180 = arith.constant 0 : i32
      %cond3A_181 = arith.cmpi ne, %convert_element_type3A_179, %cond3A_180 : i32
      scf.if %cond3A_181 {
        %add3A_390 = arith.addi %mul3A_2, %select_n3A_166 : i32
        %dma_wait3A_391 = arith.constant 0 : i32
        %dma_wait3A_392 = arith.constant 0 : i32
        %dma_wait3A_393 = arith.constant 0 : i32
        %dma_wait3A_394 = tpu.memref_slice %arg3[%dma_wait3A_391, %select_n3A_169, %add3A_390, %dma_wait3A_392, %dma_wait3A_393] : memref<21x25x128x8x128xf32, #tpu.memory_space<hbm>> -> memref<21x1x1x8x128xf32, #tpu.memory_space<hbm>>
        %dma_wait3A_395 = arith.constant 0 : i32
        %dma_wait3A_396 = arith.constant 0 : i32
        %dma_wait3A_397 = arith.constant 0 : i32
        %dma_wait3A_398 = tpu.memref_slice %arg3[%dma_wait3A_395, %select_n3A_169, %add3A_390, %dma_wait3A_396, %dma_wait3A_397] : memref<21x25x128x8x128xf32, #tpu.memory_space<hbm>> -> memref<21x1x1x8x128xf32, #tpu.memory_space<hbm>>
        tpu.wait_dma2 semaphore(%arg15 : memref<!tpu.dma_semaphore, #tpu.memory_space<semaphore_mem>>) src(%arg5 : memref<21x1x1x8x128xf32, #tpu.memory_space<vmem>>) dst(%dma_wait3A_398 : memref<21x1x1x8x128xf32, #tpu.memory_space<hbm>>)
      } else {
      }
      %scan3A_182 = arith.constant 0 : i32
      %scan3A_183 = arith.constant 0 : i32
      %scan3A_184 = arith.constant 64 : i32
      %scan3A_185 = arith.addi %scan3A_183, %scan3A_184 : i32
      %scan3A_186 = arith.constant 1 : i32
      scf.for %scan3A_390 = %scan3A_183 to %scan3A_185 step %scan3A_186  : i32 {
        %shift_right_logical3A = arith.constant 3 : i32
        %shift_right_logical3A_391 = arith.shrui %scan3A_390, %shift_right_logical3A : i32
        %and3A = arith.constant 7 : i32
        %and3A_392 = arith.andi %scan3A_390, %and3A : i32
        %mul3A_393 = arith.constant 16 : i32
        %mul3A_394 = arith.muli %and3A_392, %mul3A_393 : i32
        %add3A_395 = vector.broadcast %mul3A_394 : i32 to vector<16xi32>
        %add3A_396 = arith.addi %add3A_395, %iota3A : vector<16xi32>
        %get3A = arith.constant 0 : i32
        %get3A_397 = arith.constant 0 : i32
        %get3A_398 = arith.index_cast %get3A : i32 to index
        %get3A_399 = arith.index_cast %get3A_397 : i32 to index
        %get3A_400 = arith.index_cast %shift_right_logical3A_391 : i32 to index
        %get3A_401 = arith.index_cast %mul3A_394 : i32 to index
        %get3A_402 = tpu.vector_load %arg10[%get3A_398, %get3A_399, %get3A_400, %get3A_401] {strides = array<i32>} : memref<1x1x8x128xf32, #tpu.memory_space<vmem>>, vector<16xf32>,
        %max3A = arith.constant 0.000000e+00 : f32
        %max3A_403 = vector.broadcast %max3A : f32 to vector<16xf32>
        %max3A_404 = arith.maximumf %get3A_402, %max3A_403 : vector<16xf32>
        %min3A = arith.constant 2.000000e+01 : f32
        %min3A_405 = vector.broadcast %min3A : f32 to vector<16xf32>
        %min3A_406 = arith.minimumf %max3A_404, %min3A_405 : vector<16xf32>
        %convert_element_type3A_407 = arith.fptosi %min3A_406 : vector<16xf32> to vector<16xi32>
        %convert_element_type3A_408 = arith.sitofp %convert_element_type3A_407 : vector<16xi32> to vector<16xf32>
        %sub3A_409 = arith.subf %min3A_406, %convert_element_type3A_408 : vector<16xf32>
        %add3A_410 = arith.constant 1 : i32
        %add3A_411 = vector.broadcast %add3A_410 : i32 to vector<16xi32>
        %add3A_412 = arith.addi %convert_element_type3A_407, %add3A_411 : vector<16xi32>
        %min3A_413 = arith.constant 20 : i32
        %min3A_414 = vector.broadcast %min3A_413 : i32 to vector<16xi32>
        %min3A_415 = arith.minsi %add3A_412, %min3A_414 : vector<16xi32>
        %broadcast_in_dim3A_416 = vector.broadcast %shift_right_logical3A_391 : i32 to vector<16xi32>
        %swap3A = arith.constant 0 : i32
        %swap3A_417 = arith.constant 0 : i32
        %swap3A_418 = arith.constant 0 : i32
        %swap3A_419 = arith.index_cast %swap3A : i32 to index
        %swap3A_420 = arith.index_cast %swap3A_417 : i32 to index
        %swap3A_421 = arith.index_cast %swap3A_418 : i32 to index
        %swap3A_422 = arith.index_cast %shift_right_logical3A_391 : i32 to index
        %swap3A_423 = arith.index_cast %mul3A_394 : i32 to index
        %swap3A_424 = tpu.vector_load %arg5[%swap3A_419, %swap3A_420, %swap3A_421, %swap3A_422, %swap3A_423] {strides = array<i32>} : memref<21x1x1x8x128xf32, #tpu.memory_space<vmem>>, vector<16xf32>,
        tpu.vector_store %arg5[%swap3A_419, %swap3A_420, %swap3A_421, %swap3A_422, %swap3A_423], %broadcast_in_dim3A_3 {strides = array<i32>} : memref<21x1x1x8x128xf32, #tpu.memory_space<vmem>>, vector<16xf32>,
        %swap3A_425 = arith.constant 1 : i32
        %swap3A_426 = arith.constant 0 : i32
        %swap3A_427 = arith.constant 0 : i32
        %swap3A_428 = arith.index_cast %swap3A_425 : i32 to index
        %swap3A_429 = arith.index_cast %swap3A_426 : i32 to index
        %swap3A_430 = arith.index_cast %swap3A_427 : i32 to index
        %swap3A_431 = arith.index_cast %shift_right_logical3A_391 : i32 to index
        %swap3A_432 = arith.index_cast %mul3A_394 : i32 to index
        %swap3A_433 = tpu.vector_load %arg5[%swap3A_428, %swap3A_429, %swap3A_430, %swap3A_431, %swap3A_432] {strides = array<i32>} : memref<21x1x1x8x128xf32, #tpu.memory_space<vmem>>, vector<16xf32>,
        tpu.vector_store %arg5[%swap3A_428, %swap3A_429, %swap3A_430, %swap3A_431, %swap3A_432], %broadcast_in_dim3A_3 {strides = array<i32>} : memref<21x1x1x8x128xf32, #tpu.memory_space<vmem>>, vector<16xf32>,
        %swap3A_434 = arith.constant 2 : i32
        %swap3A_435 = arith.constant 0 : i32
        %swap3A_436 = arith.constant 0 : i32
        %swap3A_437 = arith.index_cast %swap3A_434 : i32 to index
        %swap3A_438 = arith.index_cast %swap3A_435 : i32 to index
        %swap3A_439 = arith.index_cast %swap3A_436 : i32 to index
        %swap3A_440 = arith.index_cast %shift_right_logical3A_391 : i32 to index
        %swap3A_441 = arith.index_cast %mul3A_394 : i32 to index
        %swap3A_442 = tpu.vector_load %arg5[%swap3A_437, %swap3A_438, %swap3A_439, %swap3A_440, %swap3A_441] {strides = array<i32>} : memref<21x1x1x8x128xf32, #tpu.memory_space<vmem>>, vector<16xf32>,
        tpu.vector_store %arg5[%swap3A_437, %swap3A_438, %swap3A_439, %swap3A_440, %swap3A_441], %broadcast_in_dim3A_3 {strides = array<i32>} : memref<21x1x1x8x128xf32, #tpu.memory_space<vmem>>, vector<16xf32>,
        %swap3A_443 = arith.constant 3 : i32
        %swap3A_444 = arith.constant 0 : i32
        %swap3A_445 = arith.constant 0 : i32
        %swap3A_446 = arith.index_cast %swap3A_443 : i32 to index
        %swap3A_447 = arith.index_cast %swap3A_444 : i32 to index
        %swap3A_448 = arith.index_cast %swap3A_445 : i32 to index
        %swap3A_449 = arith.index_cast %shift_right_logical3A_391 : i32 to index
        %swap3A_450 = arith.index_cast %mul3A_394 : i32 to index
        %swap3A_451 = tpu.vector_load %arg5[%swap3A_446, %swap3A_447, %swap3A_448, %swap3A_449, %swap3A_450] {strides = array<i32>} : memref<21x1x1x8x128xf32, #tpu.memory_space<vmem>>, vector<16xf32>,
        tpu.vector_store %arg5[%swap3A_446, %swap3A_447, %swap3A_448, %swap3A_449, %swap3A_450], %broadcast_in_dim3A_3 {strides = array<i32>} : memref<21x1x1x8x128xf32, #tpu.memory_space<vmem>>, vector<16xf32>,
        %swap3A_452 = arith.constant 4 : i32
        %swap3A_453 = arith.constant 0 : i32
        %swap3A_454 = arith.constant 0 : i32
        %swap3A_455 = arith.index_cast %swap3A_452 : i32 to index
        %swap3A_456 = arith.index_cast %swap3A_453 : i32 to index
        %swap3A_457 = arith.index_cast %swap3A_454 : i32 to index
        %swap3A_458 = arith.index_cast %shift_right_logical3A_391 : i32 to index
        %swap3A_459 = arith.index_cast %mul3A_394 : i32 to index
        %swap3A_460 = tpu.vector_load %arg5[%swap3A_455, %swap3A_456, %swap3A_457, %swap3A_458, %swap3A_459] {strides = array<i32>} : memref<21x1x1x8x128xf32, #tpu.memory_space<vmem>>, vector<16xf32>,
        tpu.vector_store %arg5[%swap3A_455, %swap3A_456, %swap3A_457, %swap3A_458, %swap3A_459], %broadcast_in_dim3A_3 {strides = array<i32>} : memref<21x1x1x8x128xf32, #tpu.memory_space<vmem>>, vector<16xf32>,
        %swap3A_461 = arith.constant 5 : i32
        %swap3A_462 = arith.constant 0 : i32
        %swap3A_463 = arith.constant 0 : i32
        %swap3A_464 = arith.index_cast %swap3A_461 : i32 to index
        %swap3A_465 = arith.index_cast %swap3A_462 : i32 to index
        %swap3A_466 = arith.index_cast %swap3A_463 : i32 to index
        %swap3A_467 = arith.index_cast %shift_right_logical3A_391 : i32 to index
        %swap3A_468 = arith.index_cast %mul3A_394 : i32 to index
        %swap3A_469 = tpu.vector_load %arg5[%swap3A_464, %swap3A_465, %swap3A_466, %swap3A_467, %swap3A_468] {strides = array<i32>} : memref<21x1x1x8x128xf32, #tpu.memory_space<vmem>>, vector<16xf32>,
        tpu.vector_store %arg5[%swap3A_464, %swap3A_465, %swap3A_466, %swap3A_467, %swap3A_468], %broadcast_in_dim3A_3 {strides = array<i32>} : memref<21x1x1x8x128xf32, #tpu.memory_space<vmem>>, vector<16xf32>,
        %swap3A_470 = arith.constant 6 : i32
        %swap3A_471 = arith.constant 0 : i32
        %swap3A_472 = arith.constant 0 : i32
        %swap3A_473 = arith.index_cast %swap3A_470 : i32 to index
        %swap3A_474 = arith.index_cast %swap3A_471 : i32 to index
        %swap3A_475 = arith.index_cast %swap3A_472 : i32 to index
        %swap3A_476 = arith.index_cast %shift_right_logical3A_391 : i32 to index
        %swap3A_477 = arith.index_cast %mul3A_394 : i32 to index
        %swap3A_478 = tpu.vector_load %arg5[%swap3A_473, %swap3A_474, %swap3A_475, %swap3A_476, %swap3A_477] {strides = array<i32>} : memref<21x1x1x8x128xf32, #tpu.memory_space<vmem>>, vector<16xf32>,
        tpu.vector_store %arg5[%swap3A_473, %swap3A_474, %swap3A_475, %swap3A_476, %swap3A_477], %broadcast_in_dim3A_3 {strides = array<i32>} : memref<21x1x1x8x128xf32, #tpu.memory_space<vmem>>, vector<16xf32>,
        %swap3A_479 = arith.constant 7 : i32
        %swap3A_480 = arith.constant 0 : i32
        %swap3A_481 = arith.constant 0 : i32
        %swap3A_482 = arith.index_cast %swap3A_479 : i32 to index
        %swap3A_483 = arith.index_cast %swap3A_480 : i32 to index
        %swap3A_484 = arith.index_cast %swap3A_481 : i32 to index
        %swap3A_485 = arith.index_cast %shift_right_logical3A_391 : i32 to index
        %swap3A_486 = arith.index_cast %mul3A_394 : i32 to index
        %swap3A_487 = tpu.vector_load %arg5[%swap3A_482, %swap3A_483, %swap3A_484, %swap3A_485, %swap3A_486] {strides = array<i32>} : memref<21x1x1x8x128xf32, #tpu.memory_space<vmem>>, vector<16xf32>,
        tpu.vector_store %arg5[%swap3A_482, %swap3A_483, %swap3A_484, %swap3A_485, %swap3A_486], %broadcast_in_dim3A_3 {strides = array<i32>} : memref<21x1x1x8x128xf32, #tpu.memory_space<vmem>>, vector<16xf32>,
        %swap3A_488 = arith.constant 8 : i32
        %swap3A_489 = arith.constant 0 : i32
        %swap3A_490 = arith.constant 0 : i32
        %swap3A_491 = arith.index_cast %swap3A_488 : i32 to index
        %swap3A_492 = arith.index_cast %swap3A_489 : i32 to index
        %swap3A_493 = arith.index_cast %swap3A_490 : i32 to index
        %swap3A_494 = arith.index_cast %shift_right_logical3A_391 : i32 to index
        %swap3A_495 = arith.index_cast %mul3A_394 : i32 to index
        %swap3A_496 = tpu.vector_load %arg5[%swap3A_491, %swap3A_492, %swap3A_493, %swap3A_494, %swap3A_495] {strides = array<i32>} : memref<21x1x1x8x128xf32, #tpu.memory_space<vmem>>, vector<16xf32>,
        tpu.vector_store %arg5[%swap3A_491, %swap3A_492, %swap3A_493, %swap3A_494, %swap3A_495], %broadcast_in_dim3A_3 {strides = array<i32>} : memref<21x1x1x8x128xf32, #tpu.memory_space<vmem>>, vector<16xf32>,
        %swap3A_497 = arith.constant 9 : i32
        %swap3A_498 = arith.constant 0 : i32
        %swap3A_499 = arith.constant 0 : i32
        %swap3A_500 = arith.index_cast %swap3A_497 : i32 to index
        %swap3A_501 = arith.index_cast %swap3A_498 : i32 to index
        %swap3A_502 = arith.index_cast %swap3A_499 : i32 to index
        %swap3A_503 = arith.index_cast %shift_right_logical3A_391 : i32 to index
        %swap3A_504 = arith.index_cast %mul3A_394 : i32 to index
        %swap3A_505 = tpu.vector_load %arg5[%swap3A_500, %swap3A_501, %swap3A_502, %swap3A_503, %swap3A_504] {strides = array<i32>} : memref<21x1x1x8x128xf32, #tpu.memory_space<vmem>>, vector<16xf32>,
        tpu.vector_store %arg5[%swap3A_500, %swap3A_501, %swap3A_502, %swap3A_503, %swap3A_504], %broadcast_in_dim3A_3 {strides = array<i32>} : memref<21x1x1x8x128xf32, #tpu.memory_space<vmem>>, vector<16xf32>,
        %swap3A_506 = arith.constant 10 : i32
        %swap3A_507 = arith.constant 0 : i32
        %swap3A_508 = arith.constant 0 : i32
        %swap3A_509 = arith.index_cast %swap3A_506 : i32 to index
        %swap3A_510 = arith.index_cast %swap3A_507 : i32 to index
        %swap3A_511 = arith.index_cast %swap3A_508 : i32 to index
        %swap3A_512 = arith.index_cast %shift_right_logical3A_391 : i32 to index
        %swap3A_513 = arith.index_cast %mul3A_394 : i32 to index
        %swap3A_514 = tpu.vector_load %arg5[%swap3A_509, %swap3A_510, %swap3A_511, %swap3A_512, %swap3A_513] {strides = array<i32>} : memref<21x1x1x8x128xf32, #tpu.memory_space<vmem>>, vector<16xf32>,
        tpu.vector_store %arg5[%swap3A_509, %swap3A_510, %swap3A_511, %swap3A_512, %swap3A_513], %broadcast_in_dim3A_3 {strides = array<i32>} : memref<21x1x1x8x128xf32, #tpu.memory_space<vmem>>, vector<16xf32>,
        %swap3A_515 = arith.constant 11 : i32
        %swap3A_516 = arith.constant 0 : i32
        %swap3A_517 = arith.constant 0 : i32
        %swap3A_518 = arith.index_cast %swap3A_515 : i32 to index
        %swap3A_519 = arith.index_cast %swap3A_516 : i32 to index
        %swap3A_520 = arith.index_cast %swap3A_517 : i32 to index
        %swap3A_521 = arith.index_cast %shift_right_logical3A_391 : i32 to index
        %swap3A_522 = arith.index_cast %mul3A_394 : i32 to index
        %swap3A_523 = tpu.vector_load %arg5[%swap3A_518, %swap3A_519, %swap3A_520, %swap3A_521, %swap3A_522] {strides = array<i32>} : memref<21x1x1x8x128xf32, #tpu.memory_space<vmem>>, vector<16xf32>,
        tpu.vector_store %arg5[%swap3A_518, %swap3A_519, %swap3A_520, %swap3A_521, %swap3A_522], %broadcast_in_dim3A_3 {strides = array<i32>} : memref<21x1x1x8x128xf32, #tpu.memory_space<vmem>>, vector<16xf32>,
        %swap3A_524 = arith.constant 12 : i32
        %swap3A_525 = arith.constant 0 : i32
        %swap3A_526 = arith.constant 0 : i32
        %swap3A_527 = arith.index_cast %swap3A_524 : i32 to index
        %swap3A_528 = arith.index_cast %swap3A_525 : i32 to index
        %swap3A_529 = arith.index_cast %swap3A_526 : i32 to index
        %swap3A_530 = arith.index_cast %shift_right_logical3A_391 : i32 to index
        %swap3A_531 = arith.index_cast %mul3A_394 : i32 to index
        %swap3A_532 = tpu.vector_load %arg5[%swap3A_527, %swap3A_528, %swap3A_529, %swap3A_530, %swap3A_531] {strides = array<i32>} : memref<21x1x1x8x128xf32, #tpu.memory_space<vmem>>, vector<16xf32>,
        tpu.vector_store %arg5[%swap3A_527, %swap3A_528, %swap3A_529, %swap3A_530, %swap3A_531], %broadcast_in_dim3A_3 {strides = array<i32>} : memref<21x1x1x8x128xf32, #tpu.memory_space<vmem>>, vector<16xf32>,
        %swap3A_533 = arith.constant 13 : i32
        %swap3A_534 = arith.constant 0 : i32
        %swap3A_535 = arith.constant 0 : i32
        %swap3A_536 = arith.index_cast %swap3A_533 : i32 to index
        %swap3A_537 = arith.index_cast %swap3A_534 : i32 to index
        %swap3A_538 = arith.index_cast %swap3A_535 : i32 to index
        %swap3A_539 = arith.index_cast %shift_right_logical3A_391 : i32 to index
        %swap3A_540 = arith.index_cast %mul3A_394 : i32 to index
        %swap3A_541 = tpu.vector_load %arg5[%swap3A_536, %swap3A_537, %swap3A_538, %swap3A_539, %swap3A_540] {strides = array<i32>} : memref<21x1x1x8x128xf32, #tpu.memory_space<vmem>>, vector<16xf32>,
        tpu.vector_store %arg5[%swap3A_536, %swap3A_537, %swap3A_538, %swap3A_539, %swap3A_540], %broadcast_in_dim3A_3 {strides = array<i32>} : memref<21x1x1x8x128xf32, #tpu.memory_space<vmem>>, vector<16xf32>,
        %swap3A_542 = arith.constant 14 : i32
        %swap3A_543 = arith.constant 0 : i32
        %swap3A_544 = arith.constant 0 : i32
        %swap3A_545 = arith.index_cast %swap3A_542 : i32 to index
        %swap3A_546 = arith.index_cast %swap3A_543 : i32 to index
        %swap3A_547 = arith.index_cast %swap3A_544 : i32 to index
        %swap3A_548 = arith.index_cast %shift_right_logical3A_391 : i32 to index
        %swap3A_549 = arith.index_cast %mul3A_394 : i32 to index
        %swap3A_550 = tpu.vector_load %arg5[%swap3A_545, %swap3A_546, %swap3A_547, %swap3A_548, %swap3A_549] {strides = array<i32>} : memref<21x1x1x8x128xf32, #tpu.memory_space<vmem>>, vector<16xf32>,
        tpu.vector_store %arg5[%swap3A_545, %swap3A_546, %swap3A_547, %swap3A_548, %swap3A_549], %broadcast_in_dim3A_3 {strides = array<i32>} : memref<21x1x1x8x128xf32, #tpu.memory_space<vmem>>, vector<16xf32>,
        %swap3A_551 = arith.constant 15 : i32
        %swap3A_552 = arith.constant 0 : i32
        %swap3A_553 = arith.constant 0 : i32
        %swap3A_554 = arith.index_cast %swap3A_551 : i32 to index
        %swap3A_555 = arith.index_cast %swap3A_552 : i32 to index
        %swap3A_556 = arith.index_cast %swap3A_553 : i32 to index
        %swap3A_557 = arith.index_cast %shift_right_logical3A_391 : i32 to index
        %swap3A_558 = arith.index_cast %mul3A_394 : i32 to index
        %swap3A_559 = tpu.vector_load %arg5[%swap3A_554, %swap3A_555, %swap3A_556, %swap3A_557, %swap3A_558] {strides = array<i32>} : memref<21x1x1x8x128xf32, #tpu.memory_space<vmem>>, vector<16xf32>,
        tpu.vector_store %arg5[%swap3A_554, %swap3A_555, %swap3A_556, %swap3A_557, %swap3A_558], %broadcast_in_dim3A_3 {strides = array<i32>} : memref<21x1x1x8x128xf32, #tpu.memory_space<vmem>>, vector<16xf32>,
        %swap3A_560 = arith.constant 16 : i32
        %swap3A_561 = arith.constant 0 : i32
        %swap3A_562 = arith.constant 0 : i32
        %swap3A_563 = arith.index_cast %swap3A_560 : i32 to index
        %swap3A_564 = arith.index_cast %swap3A_561 : i32 to index
        %swap3A_565 = arith.index_cast %swap3A_562 : i32 to index
        %swap3A_566 = arith.index_cast %shift_right_logical3A_391 : i32 to index
        %swap3A_567 = arith.index_cast %mul3A_394 : i32 to index
        %swap3A_568 = tpu.vector_load %arg5[%swap3A_563, %swap3A_564, %swap3A_565, %swap3A_566, %swap3A_567] {strides = array<i32>} : memref<21x1x1x8x128xf32, #tpu.memory_space<vmem>>, vector<16xf32>,
        tpu.vector_store %arg5[%swap3A_563, %swap3A_564, %swap3A_565, %swap3A_566, %swap3A_567], %broadcast_in_dim3A_3 {strides = array<i32>} : memref<21x1x1x8x128xf32, #tpu.memory_space<vmem>>, vector<16xf32>,
        %swap3A_569 = arith.constant 17 : i32
        %swap3A_570 = arith.constant 0 : i32
        %swap3A_571 = arith.constant 0 : i32
        %swap3A_572 = arith.index_cast %swap3A_569 : i32 to index
        %swap3A_573 = arith.index_cast %swap3A_570 : i32 to index
        %swap3A_574 = arith.index_cast %swap3A_571 : i32 to index
        %swap3A_575 = arith.index_cast %shift_right_logical3A_391 : i32 to index
        %swap3A_576 = arith.index_cast %mul3A_394 : i32 to index
        %swap3A_577 = tpu.vector_load %arg5[%swap3A_572, %swap3A_573, %swap3A_574, %swap3A_575, %swap3A_576] {strides = array<i32>} : memref<21x1x1x8x128xf32, #tpu.memory_space<vmem>>, vector<16xf32>,
        tpu.vector_store %arg5[%swap3A_572, %swap3A_573, %swap3A_574, %swap3A_575, %swap3A_576], %broadcast_in_dim3A_3 {strides = array<i32>} : memref<21x1x1x8x128xf32, #tpu.memory_space<vmem>>, vector<16xf32>,
        %swap3A_578 = arith.constant 18 : i32
        %swap3A_579 = arith.constant 0 : i32
        %swap3A_580 = arith.constant 0 : i32
        %swap3A_581 = arith.index_cast %swap3A_578 : i32 to index
        %swap3A_582 = arith.index_cast %swap3A_579 : i32 to index
        %swap3A_583 = arith.index_cast %swap3A_580 : i32 to index
        %swap3A_584 = arith.index_cast %shift_right_logical3A_391 : i32 to index
        %swap3A_585 = arith.index_cast %mul3A_394 : i32 to index
        %swap3A_586 = tpu.vector_load %arg5[%swap3A_581, %swap3A_582, %swap3A_583, %swap3A_584, %swap3A_585] {strides = array<i32>} : memref<21x1x1x8x128xf32, #tpu.memory_space<vmem>>, vector<16xf32>,
        tpu.vector_store %arg5[%swap3A_581, %swap3A_582, %swap3A_583, %swap3A_584, %swap3A_585], %broadcast_in_dim3A_3 {strides = array<i32>} : memref<21x1x1x8x128xf32, #tpu.memory_space<vmem>>, vector<16xf32>,
        %swap3A_587 = arith.constant 19 : i32
        %swap3A_588 = arith.constant 0 : i32
        %swap3A_589 = arith.constant 0 : i32
        %swap3A_590 = arith.index_cast %swap3A_587 : i32 to index
        %swap3A_591 = arith.index_cast %swap3A_588 : i32 to index
        %swap3A_592 = arith.index_cast %swap3A_589 : i32 to index
        %swap3A_593 = arith.index_cast %shift_right_logical3A_391 : i32 to index
        %swap3A_594 = arith.index_cast %mul3A_394 : i32 to index
        %swap3A_595 = tpu.vector_load %arg5[%swap3A_590, %swap3A_591, %swap3A_592, %swap3A_593, %swap3A_594] {strides = array<i32>} : memref<21x1x1x8x128xf32, #tpu.memory_space<vmem>>, vector<16xf32>,
        tpu.vector_store %arg5[%swap3A_590, %swap3A_591, %swap3A_592, %swap3A_593, %swap3A_594], %broadcast_in_dim3A_3 {strides = array<i32>} : memref<21x1x1x8x128xf32, #tpu.memory_space<vmem>>, vector<16xf32>,
        %swap3A_596 = arith.constant 20 : i32
        %swap3A_597 = arith.constant 0 : i32
        %swap3A_598 = arith.constant 0 : i32
        %swap3A_599 = arith.index_cast %swap3A_596 : i32 to index
        %swap3A_600 = arith.index_cast %swap3A_597 : i32 to index
        %swap3A_601 = arith.index_cast %swap3A_598 : i32 to index
        %swap3A_602 = arith.index_cast %shift_right_logical3A_391 : i32 to index
        %swap3A_603 = arith.index_cast %mul3A_394 : i32 to index
        %swap3A_604 = tpu.vector_load %arg5[%swap3A_599, %swap3A_600, %swap3A_601, %swap3A_602, %swap3A_603] {strides = array<i32>} : memref<21x1x1x8x128xf32, #tpu.memory_space<vmem>>, vector<16xf32>,
        tpu.vector_store %arg5[%swap3A_599, %swap3A_600, %swap3A_601, %swap3A_602, %swap3A_603], %broadcast_in_dim3A_3 {strides = array<i32>} : memref<21x1x1x8x128xf32, #tpu.memory_space<vmem>>, vector<16xf32>,
        tpu.vector_store_idx %arg5[%min3A_415, %broadcast_in_dim3A_5, %broadcast_in_dim3A_5, %broadcast_in_dim3A_416, %add3A_396], %sub3A_409 : memref<21x1x1x8x128xf32, #tpu.memory_space<vmem>>[vector<16xi32>, vector<16xi32>, vector<16xi32>, vector<16xi32>, vector<16xi32>], vector<16xf32>,
        %sub3A_605 = arith.constant 1.000000e+00 : f32
        %sub3A_606 = vector.broadcast %sub3A_605 : f32 to vector<16xf32>
        %sub3A_607 = arith.subf %sub3A_606, %sub3A_409 : vector<16xf32>
        tpu.vector_store_idx %arg5[%convert_element_type3A_407, %broadcast_in_dim3A_5, %broadcast_in_dim3A_5, %broadcast_in_dim3A_416, %add3A_396], %sub3A_607 : memref<21x1x1x8x128xf32, #tpu.memory_space<vmem>>[vector<16xi32>, vector<16xi32>, vector<16xi32>, vector<16xi32>, vector<16xi32>], vector<16xf32>,
      }
      %scan3A_187 = arith.constant 64 : i32
      %add3A_188 = arith.addi %mul3A_2, %select_n3A_166 : i32
      %dma_start3A_189 = arith.constant 0 : i32
      %dma_start3A_190 = arith.constant 0 : i32
      %dma_start3A_191 = arith.constant 0 : i32
      %dma_start3A_192 = tpu.memref_slice %arg3[%dma_start3A_189, %select_n3A_169, %add3A_188, %dma_start3A_190, %dma_start3A_191] : memref<21x25x128x8x128xf32, #tpu.memory_space<hbm>> -> memref<21x1x1x8x128xf32, #tpu.memory_space<hbm>>
      %dma_start3A_193 = arith.constant 0 : i32
      %dma_start3A_194 = arith.constant 0 : i32
      %dma_start3A_195 = arith.constant 0 : i32
      %dma_start3A_196 = tpu.memref_slice %arg3[%dma_start3A_193, %select_n3A_169, %add3A_188, %dma_start3A_194, %dma_start3A_195] : memref<21x25x128x8x128xf32, #tpu.memory_space<hbm>> -> memref<21x1x1x8x128xf32, #tpu.memory_space<hbm>>
      tpu.enqueue_dma source(%arg5 : memref<21x1x1x8x128xf32, #tpu.memory_space<vmem>>) target(%dma_start3A_196 : memref<21x1x1x8x128xf32, #tpu.memory_space<hbm>>) target_semaphore(%arg15 : memref<!tpu.dma_semaphore, #tpu.memory_space<semaphore_mem>>)
      %add3A_197 = arith.constant 5 : i32
      %add3A_198 = arith.addi %select_n3A_169, %add3A_197 : i32
      %ge3A_199 = arith.constant 25 : i32
      %ge3A_200 = arith.cmpi sge, %add3A_198, %ge3A_199 : i32
      %add3A_201 = arith.constant 1 : i32
      %add3A_202 = arith.addi %select_n3A_166, %add3A_201 : i32
      %select_n3A_203 = arith.select %ge3A_200, %add3A_202, %select_n3A_166 : i32
      %add3A_204 = arith.constant 5 : i32
      %add3A_205 = arith.addi %select_n3A_169, %add3A_204 : i32
      %sub3A_206 = arith.constant 25 : i32
      %sub3A_207 = arith.subi %add3A_205, %sub3A_206 : i32
      %add3A_208 = arith.constant 5 : i32
      %add3A_209 = arith.addi %select_n3A_169, %add3A_208 : i32
      %select_n3A_210 = arith.select %ge3A_200, %sub3A_207, %add3A_209 : i32
      %lt3A_211 = arith.constant 4 : i32
      %lt3A_212 = arith.cmpi slt, %select_n3A_203, %lt3A_211 : i32
      %convert_element_type3A_213 = arith.extui %lt3A_212 : i1 to i32
      %cond3A_214 = arith.constant 0 : i32
      %cond3A_215 = arith.cmpi ne, %convert_element_type3A_213, %cond3A_214 : i32
      scf.if %cond3A_215 {
        %add3A_390 = arith.addi %mul3A_2, %select_n3A_203 : i32
        %dma_start3A_391 = arith.constant 0 : i32
        %dma_start3A_392 = arith.constant 0 : i32
        %dma_start3A_393 = tpu.memref_slice %arg2[%select_n3A_210, %add3A_390, %dma_start3A_391, %dma_start3A_392] : memref<25x128x8x128xf32, #tpu.memory_space<hbm>> -> memref<1x1x8x128xf32, #tpu.memory_space<hbm>>
        %dma_start3A_394 = arith.constant 0 : i32
        %dma_start3A_395 = arith.constant 0 : i32
        %dma_start3A_396 = tpu.memref_slice %arg2[%select_n3A_210, %add3A_390, %dma_start3A_394, %dma_start3A_395] : memref<25x128x8x128xf32, #tpu.memory_space<hbm>> -> memref<1x1x8x128xf32, #tpu.memory_space<hbm>>
        tpu.enqueue_dma source(%dma_start3A_396 : memref<1x1x8x128xf32, #tpu.memory_space<hbm>>) target(%arg10 : memref<1x1x8x128xf32, #tpu.memory_space<vmem>>) target_semaphore(%arg20 : memref<!tpu.dma_semaphore, #tpu.memory_space<semaphore_mem>>)
      } else {
      }
      %eq3A_216 = arith.constant 24 : i32
      %eq3A_217 = arith.cmpi eq, %select_n3A_169, %eq3A_216 : i32
      %add3A_218 = arith.constant 1 : i32
      %add3A_219 = arith.addi %select_n3A_166, %add3A_218 : i32
      %select_n3A_220 = arith.select %eq3A_217, %add3A_219, %select_n3A_166 : i32
      %add3A_221 = arith.constant 1 : i32
      %add3A_222 = arith.addi %select_n3A_169, %add3A_221 : i32
      %jit3A_223 = arith.constant 0 : i32
      %select_n3A_224 = arith.select %eq3A_217, %jit3A_223, %add3A_222 : i32
      %add3A_225 = arith.addi %mul3A_2, %select_n3A_220 : i32
      %dma_wait3A_226 = arith.constant 0 : i32
      %dma_wait3A_227 = arith.constant 0 : i32
      %dma_wait3A_228 = tpu.memref_slice %arg2[%select_n3A_224, %add3A_225, %dma_wait3A_226, %dma_wait3A_227] : memref<25x128x8x128xf32, #tpu.memory_space<hbm>> -> memref<1x1x8x128xf32, #tpu.memory_space<hbm>>
      %dma_wait3A_229 = arith.constant 0 : i32
      %dma_wait3A_230 = arith.constant 0 : i32
      %dma_wait3A_231 = tpu.memref_slice %arg2[%select_n3A_224, %add3A_225, %dma_wait3A_229, %dma_wait3A_230] : memref<25x128x8x128xf32, #tpu.memory_space<hbm>> -> memref<1x1x8x128xf32, #tpu.memory_space<hbm>>
      tpu.wait_dma2 semaphore(%arg21 : memref<!tpu.dma_semaphore, #tpu.memory_space<semaphore_mem>>) src(%dma_wait3A_231 : memref<1x1x8x128xf32, #tpu.memory_space<hbm>>) dst(%arg11 : memref<1x1x8x128xf32, #tpu.memory_space<vmem>>)
      %gt3A_232 = arith.constant 0 : i32
      %gt3A_233 = arith.cmpi sgt, %scan3A_121, %gt3A_232 : i32
      %convert_element_type3A_234 = arith.extui %gt3A_233 : i1 to i32
      %cond3A_235 = arith.constant 0 : i32
      %cond3A_236 = arith.cmpi ne, %convert_element_type3A_234, %cond3A_235 : i32
      scf.if %cond3A_236 {
        %add3A_390 = arith.addi %mul3A_2, %select_n3A_220 : i32
        %dma_wait3A_391 = arith.constant 0 : i32
        %dma_wait3A_392 = arith.constant 0 : i32
        %dma_wait3A_393 = arith.constant 0 : i32
        %dma_wait3A_394 = tpu.memref_slice %arg3[%dma_wait3A_391, %select_n3A_224, %add3A_390, %dma_wait3A_392, %dma_wait3A_393] : memref<21x25x128x8x128xf32, #tpu.memory_space<hbm>> -> memref<21x1x1x8x128xf32, #tpu.memory_space<hbm>>
        %dma_wait3A_395 = arith.constant 0 : i32
        %dma_wait3A_396 = arith.constant 0 : i32
        %dma_wait3A_397 = arith.constant 0 : i32
        %dma_wait3A_398 = tpu.memref_slice %arg3[%dma_wait3A_395, %select_n3A_224, %add3A_390, %dma_wait3A_396, %dma_wait3A_397] : memref<21x25x128x8x128xf32, #tpu.memory_space<hbm>> -> memref<21x1x1x8x128xf32, #tpu.memory_space<hbm>>
        tpu.wait_dma2 semaphore(%arg16 : memref<!tpu.dma_semaphore, #tpu.memory_space<semaphore_mem>>) src(%arg6 : memref<21x1x1x8x128xf32, #tpu.memory_space<vmem>>) dst(%dma_wait3A_398 : memref<21x1x1x8x128xf32, #tpu.memory_space<hbm>>)
      } else {
      }
      %scan3A_237 = arith.constant 0 : i32
      %scan3A_238 = arith.constant 0 : i32
      %scan3A_239 = arith.constant 64 : i32
      %scan3A_240 = arith.addi %scan3A_238, %scan3A_239 : i32
      %scan3A_241 = arith.constant 1 : i32
      scf.for %scan3A_390 = %scan3A_238 to %scan3A_240 step %scan3A_241  : i32 {
        %shift_right_logical3A = arith.constant 3 : i32
        %shift_right_logical3A_391 = arith.shrui %scan3A_390, %shift_right_logical3A : i32
        %and3A = arith.constant 7 : i32
        %and3A_392 = arith.andi %scan3A_390, %and3A : i32
        %mul3A_393 = arith.constant 16 : i32
        %mul3A_394 = arith.muli %and3A_392, %mul3A_393 : i32
        %add3A_395 = vector.broadcast %mul3A_394 : i32 to vector<16xi32>
        %add3A_396 = arith.addi %add3A_395, %iota3A : vector<16xi32>
        %get3A = arith.constant 0 : i32
        %get3A_397 = arith.constant 0 : i32
        %get3A_398 = arith.index_cast %get3A : i32 to index
        %get3A_399 = arith.index_cast %get3A_397 : i32 to index
        %get3A_400 = arith.index_cast %shift_right_logical3A_391 : i32 to index
        %get3A_401 = arith.index_cast %mul3A_394 : i32 to index
        %get3A_402 = tpu.vector_load %arg11[%get3A_398, %get3A_399, %get3A_400, %get3A_401] {strides = array<i32>} : memref<1x1x8x128xf32, #tpu.memory_space<vmem>>, vector<16xf32>,
        %max3A = arith.constant 0.000000e+00 : f32
        %max3A_403 = vector.broadcast %max3A : f32 to vector<16xf32>
        %max3A_404 = arith.maximumf %get3A_402, %max3A_403 : vector<16xf32>
        %min3A = arith.constant 2.000000e+01 : f32
        %min3A_405 = vector.broadcast %min3A : f32 to vector<16xf32>
        %min3A_406 = arith.minimumf %max3A_404, %min3A_405 : vector<16xf32>
        %convert_element_type3A_407 = arith.fptosi %min3A_406 : vector<16xf32> to vector<16xi32>
        %convert_element_type3A_408 = arith.sitofp %convert_element_type3A_407 : vector<16xi32> to vector<16xf32>
        %sub3A_409 = arith.subf %min3A_406, %convert_element_type3A_408 : vector<16xf32>
        %add3A_410 = arith.constant 1 : i32
        %add3A_411 = vector.broadcast %add3A_410 : i32 to vector<16xi32>
        %add3A_412 = arith.addi %convert_element_type3A_407, %add3A_411 : vector<16xi32>
        %min3A_413 = arith.constant 20 : i32
        %min3A_414 = vector.broadcast %min3A_413 : i32 to vector<16xi32>
        %min3A_415 = arith.minsi %add3A_412, %min3A_414 : vector<16xi32>
        %broadcast_in_dim3A_416 = vector.broadcast %shift_right_logical3A_391 : i32 to vector<16xi32>
        %swap3A = arith.constant 0 : i32
        %swap3A_417 = arith.constant 0 : i32
        %swap3A_418 = arith.constant 0 : i32
        %swap3A_419 = arith.index_cast %swap3A : i32 to index
        %swap3A_420 = arith.index_cast %swap3A_417 : i32 to index
        %swap3A_421 = arith.index_cast %swap3A_418 : i32 to index
        %swap3A_422 = arith.index_cast %shift_right_logical3A_391 : i32 to index
        %swap3A_423 = arith.index_cast %mul3A_394 : i32 to index
        %swap3A_424 = tpu.vector_load %arg6[%swap3A_419, %swap3A_420, %swap3A_421, %swap3A_422, %swap3A_423] {strides = array<i32>} : memref<21x1x1x8x128xf32, #tpu.memory_space<vmem>>, vector<16xf32>,
        tpu.vector_store %arg6[%swap3A_419, %swap3A_420, %swap3A_421, %swap3A_422, %swap3A_423], %broadcast_in_dim3A_3 {strides = array<i32>} : memref<21x1x1x8x128xf32, #tpu.memory_space<vmem>>, vector<16xf32>,
        %swap3A_425 = arith.constant 1 : i32
        %swap3A_426 = arith.constant 0 : i32
        %swap3A_427 = arith.constant 0 : i32
        %swap3A_428 = arith.index_cast %swap3A_425 : i32 to index
        %swap3A_429 = arith.index_cast %swap3A_426 : i32 to index
        %swap3A_430 = arith.index_cast %swap3A_427 : i32 to index
        %swap3A_431 = arith.index_cast %shift_right_logical3A_391 : i32 to index
        %swap3A_432 = arith.index_cast %mul3A_394 : i32 to index
        %swap3A_433 = tpu.vector_load %arg6[%swap3A_428, %swap3A_429, %swap3A_430, %swap3A_431, %swap3A_432] {strides = array<i32>} : memref<21x1x1x8x128xf32, #tpu.memory_space<vmem>>, vector<16xf32>,
        tpu.vector_store %arg6[%swap3A_428, %swap3A_429, %swap3A_430, %swap3A_431, %swap3A_432], %broadcast_in_dim3A_3 {strides = array<i32>} : memref<21x1x1x8x128xf32, #tpu.memory_space<vmem>>, vector<16xf32>,
        %swap3A_434 = arith.constant 2 : i32
        %swap3A_435 = arith.constant 0 : i32
        %swap3A_436 = arith.constant 0 : i32
        %swap3A_437 = arith.index_cast %swap3A_434 : i32 to index
        %swap3A_438 = arith.index_cast %swap3A_435 : i32 to index
        %swap3A_439 = arith.index_cast %swap3A_436 : i32 to index
        %swap3A_440 = arith.index_cast %shift_right_logical3A_391 : i32 to index
        %swap3A_441 = arith.index_cast %mul3A_394 : i32 to index
        %swap3A_442 = tpu.vector_load %arg6[%swap3A_437, %swap3A_438, %swap3A_439, %swap3A_440, %swap3A_441] {strides = array<i32>} : memref<21x1x1x8x128xf32, #tpu.memory_space<vmem>>, vector<16xf32>,
        tpu.vector_store %arg6[%swap3A_437, %swap3A_438, %swap3A_439, %swap3A_440, %swap3A_441], %broadcast_in_dim3A_3 {strides = array<i32>} : memref<21x1x1x8x128xf32, #tpu.memory_space<vmem>>, vector<16xf32>,
        %swap3A_443 = arith.constant 3 : i32
        %swap3A_444 = arith.constant 0 : i32
        %swap3A_445 = arith.constant 0 : i32
        %swap3A_446 = arith.index_cast %swap3A_443 : i32 to index
        %swap3A_447 = arith.index_cast %swap3A_444 : i32 to index
        %swap3A_448 = arith.index_cast %swap3A_445 : i32 to index
        %swap3A_449 = arith.index_cast %shift_right_logical3A_391 : i32 to index
        %swap3A_450 = arith.index_cast %mul3A_394 : i32 to index
        %swap3A_451 = tpu.vector_load %arg6[%swap3A_446, %swap3A_447, %swap3A_448, %swap3A_449, %swap3A_450] {strides = array<i32>} : memref<21x1x1x8x128xf32, #tpu.memory_space<vmem>>, vector<16xf32>,
        tpu.vector_store %arg6[%swap3A_446, %swap3A_447, %swap3A_448, %swap3A_449, %swap3A_450], %broadcast_in_dim3A_3 {strides = array<i32>} : memref<21x1x1x8x128xf32, #tpu.memory_space<vmem>>, vector<16xf32>,
        %swap3A_452 = arith.constant 4 : i32
        %swap3A_453 = arith.constant 0 : i32
        %swap3A_454 = arith.constant 0 : i32
        %swap3A_455 = arith.index_cast %swap3A_452 : i32 to index
        %swap3A_456 = arith.index_cast %swap3A_453 : i32 to index
        %swap3A_457 = arith.index_cast %swap3A_454 : i32 to index
        %swap3A_458 = arith.index_cast %shift_right_logical3A_391 : i32 to index
        %swap3A_459 = arith.index_cast %mul3A_394 : i32 to index
        %swap3A_460 = tpu.vector_load %arg6[%swap3A_455, %swap3A_456, %swap3A_457, %swap3A_458, %swap3A_459] {strides = array<i32>} : memref<21x1x1x8x128xf32, #tpu.memory_space<vmem>>, vector<16xf32>,
        tpu.vector_store %arg6[%swap3A_455, %swap3A_456, %swap3A_457, %swap3A_458, %swap3A_459], %broadcast_in_dim3A_3 {strides = array<i32>} : memref<21x1x1x8x128xf32, #tpu.memory_space<vmem>>, vector<16xf32>,
        %swap3A_461 = arith.constant 5 : i32
        %swap3A_462 = arith.constant 0 : i32
        %swap3A_463 = arith.constant 0 : i32
        %swap3A_464 = arith.index_cast %swap3A_461 : i32 to index
        %swap3A_465 = arith.index_cast %swap3A_462 : i32 to index
        %swap3A_466 = arith.index_cast %swap3A_463 : i32 to index
        %swap3A_467 = arith.index_cast %shift_right_logical3A_391 : i32 to index
        %swap3A_468 = arith.index_cast %mul3A_394 : i32 to index
        %swap3A_469 = tpu.vector_load %arg6[%swap3A_464, %swap3A_465, %swap3A_466, %swap3A_467, %swap3A_468] {strides = array<i32>} : memref<21x1x1x8x128xf32, #tpu.memory_space<vmem>>, vector<16xf32>,
        tpu.vector_store %arg6[%swap3A_464, %swap3A_465, %swap3A_466, %swap3A_467, %swap3A_468], %broadcast_in_dim3A_3 {strides = array<i32>} : memref<21x1x1x8x128xf32, #tpu.memory_space<vmem>>, vector<16xf32>,
        %swap3A_470 = arith.constant 6 : i32
        %swap3A_471 = arith.constant 0 : i32
        %swap3A_472 = arith.constant 0 : i32
        %swap3A_473 = arith.index_cast %swap3A_470 : i32 to index
        %swap3A_474 = arith.index_cast %swap3A_471 : i32 to index
        %swap3A_475 = arith.index_cast %swap3A_472 : i32 to index
        %swap3A_476 = arith.index_cast %shift_right_logical3A_391 : i32 to index
        %swap3A_477 = arith.index_cast %mul3A_394 : i32 to index
        %swap3A_478 = tpu.vector_load %arg6[%swap3A_473, %swap3A_474, %swap3A_475, %swap3A_476, %swap3A_477] {strides = array<i32>} : memref<21x1x1x8x128xf32, #tpu.memory_space<vmem>>, vector<16xf32>,
        tpu.vector_store %arg6[%swap3A_473, %swap3A_474, %swap3A_475, %swap3A_476, %swap3A_477], %broadcast_in_dim3A_3 {strides = array<i32>} : memref<21x1x1x8x128xf32, #tpu.memory_space<vmem>>, vector<16xf32>,
        %swap3A_479 = arith.constant 7 : i32
        %swap3A_480 = arith.constant 0 : i32
        %swap3A_481 = arith.constant 0 : i32
        %swap3A_482 = arith.index_cast %swap3A_479 : i32 to index
        %swap3A_483 = arith.index_cast %swap3A_480 : i32 to index
        %swap3A_484 = arith.index_cast %swap3A_481 : i32 to index
        %swap3A_485 = arith.index_cast %shift_right_logical3A_391 : i32 to index
        %swap3A_486 = arith.index_cast %mul3A_394 : i32 to index
        %swap3A_487 = tpu.vector_load %arg6[%swap3A_482, %swap3A_483, %swap3A_484, %swap3A_485, %swap3A_486] {strides = array<i32>} : memref<21x1x1x8x128xf32, #tpu.memory_space<vmem>>, vector<16xf32>,
        tpu.vector_store %arg6[%swap3A_482, %swap3A_483, %swap3A_484, %swap3A_485, %swap3A_486], %broadcast_in_dim3A_3 {strides = array<i32>} : memref<21x1x1x8x128xf32, #tpu.memory_space<vmem>>, vector<16xf32>,
        %swap3A_488 = arith.constant 8 : i32
        %swap3A_489 = arith.constant 0 : i32
        %swap3A_490 = arith.constant 0 : i32
        %swap3A_491 = arith.index_cast %swap3A_488 : i32 to index
        %swap3A_492 = arith.index_cast %swap3A_489 : i32 to index
        %swap3A_493 = arith.index_cast %swap3A_490 : i32 to index
        %swap3A_494 = arith.index_cast %shift_right_logical3A_391 : i32 to index
        %swap3A_495 = arith.index_cast %mul3A_394 : i32 to index
        %swap3A_496 = tpu.vector_load %arg6[%swap3A_491, %swap3A_492, %swap3A_493, %swap3A_494, %swap3A_495] {strides = array<i32>} : memref<21x1x1x8x128xf32, #tpu.memory_space<vmem>>, vector<16xf32>,
        tpu.vector_store %arg6[%swap3A_491, %swap3A_492, %swap3A_493, %swap3A_494, %swap3A_495], %broadcast_in_dim3A_3 {strides = array<i32>} : memref<21x1x1x8x128xf32, #tpu.memory_space<vmem>>, vector<16xf32>,
        %swap3A_497 = arith.constant 9 : i32
        %swap3A_498 = arith.constant 0 : i32
        %swap3A_499 = arith.constant 0 : i32
        %swap3A_500 = arith.index_cast %swap3A_497 : i32 to index
        %swap3A_501 = arith.index_cast %swap3A_498 : i32 to index
        %swap3A_502 = arith.index_cast %swap3A_499 : i32 to index
        %swap3A_503 = arith.index_cast %shift_right_logical3A_391 : i32 to index
        %swap3A_504 = arith.index_cast %mul3A_394 : i32 to index
        %swap3A_505 = tpu.vector_load %arg6[%swap3A_500, %swap3A_501, %swap3A_502, %swap3A_503, %swap3A_504] {strides = array<i32>} : memref<21x1x1x8x128xf32, #tpu.memory_space<vmem>>, vector<16xf32>,
        tpu.vector_store %arg6[%swap3A_500, %swap3A_501, %swap3A_502, %swap3A_503, %swap3A_504], %broadcast_in_dim3A_3 {strides = array<i32>} : memref<21x1x1x8x128xf32, #tpu.memory_space<vmem>>, vector<16xf32>,
        %swap3A_506 = arith.constant 10 : i32
        %swap3A_507 = arith.constant 0 : i32
        %swap3A_508 = arith.constant 0 : i32
        %swap3A_509 = arith.index_cast %swap3A_506 : i32 to index
        %swap3A_510 = arith.index_cast %swap3A_507 : i32 to index
        %swap3A_511 = arith.index_cast %swap3A_508 : i32 to index
        %swap3A_512 = arith.index_cast %shift_right_logical3A_391 : i32 to index
        %swap3A_513 = arith.index_cast %mul3A_394 : i32 to index
        %swap3A_514 = tpu.vector_load %arg6[%swap3A_509, %swap3A_510, %swap3A_511, %swap3A_512, %swap3A_513] {strides = array<i32>} : memref<21x1x1x8x128xf32, #tpu.memory_space<vmem>>, vector<16xf32>,
        tpu.vector_store %arg6[%swap3A_509, %swap3A_510, %swap3A_511, %swap3A_512, %swap3A_513], %broadcast_in_dim3A_3 {strides = array<i32>} : memref<21x1x1x8x128xf32, #tpu.memory_space<vmem>>, vector<16xf32>,
        %swap3A_515 = arith.constant 11 : i32
        %swap3A_516 = arith.constant 0 : i32
        %swap3A_517 = arith.constant 0 : i32
        %swap3A_518 = arith.index_cast %swap3A_515 : i32 to index
        %swap3A_519 = arith.index_cast %swap3A_516 : i32 to index
        %swap3A_520 = arith.index_cast %swap3A_517 : i32 to index
        %swap3A_521 = arith.index_cast %shift_right_logical3A_391 : i32 to index
        %swap3A_522 = arith.index_cast %mul3A_394 : i32 to index
        %swap3A_523 = tpu.vector_load %arg6[%swap3A_518, %swap3A_519, %swap3A_520, %swap3A_521, %swap3A_522] {strides = array<i32>} : memref<21x1x1x8x128xf32, #tpu.memory_space<vmem>>, vector<16xf32>,
        tpu.vector_store %arg6[%swap3A_518, %swap3A_519, %swap3A_520, %swap3A_521, %swap3A_522], %broadcast_in_dim3A_3 {strides = array<i32>} : memref<21x1x1x8x128xf32, #tpu.memory_space<vmem>>, vector<16xf32>,
        %swap3A_524 = arith.constant 12 : i32
        %swap3A_525 = arith.constant 0 : i32
        %swap3A_526 = arith.constant 0 : i32
        %swap3A_527 = arith.index_cast %swap3A_524 : i32 to index
        %swap3A_528 = arith.index_cast %swap3A_525 : i32 to index
        %swap3A_529 = arith.index_cast %swap3A_526 : i32 to index
        %swap3A_530 = arith.index_cast %shift_right_logical3A_391 : i32 to index
        %swap3A_531 = arith.index_cast %mul3A_394 : i32 to index
        %swap3A_532 = tpu.vector_load %arg6[%swap3A_527, %swap3A_528, %swap3A_529, %swap3A_530, %swap3A_531] {strides = array<i32>} : memref<21x1x1x8x128xf32, #tpu.memory_space<vmem>>, vector<16xf32>,
        tpu.vector_store %arg6[%swap3A_527, %swap3A_528, %swap3A_529, %swap3A_530, %swap3A_531], %broadcast_in_dim3A_3 {strides = array<i32>} : memref<21x1x1x8x128xf32, #tpu.memory_space<vmem>>, vector<16xf32>,
        %swap3A_533 = arith.constant 13 : i32
        %swap3A_534 = arith.constant 0 : i32
        %swap3A_535 = arith.constant 0 : i32
        %swap3A_536 = arith.index_cast %swap3A_533 : i32 to index
        %swap3A_537 = arith.index_cast %swap3A_534 : i32 to index
        %swap3A_538 = arith.index_cast %swap3A_535 : i32 to index
        %swap3A_539 = arith.index_cast %shift_right_logical3A_391 : i32 to index
        %swap3A_540 = arith.index_cast %mul3A_394 : i32 to index
        %swap3A_541 = tpu.vector_load %arg6[%swap3A_536, %swap3A_537, %swap3A_538, %swap3A_539, %swap3A_540] {strides = array<i32>} : memref<21x1x1x8x128xf32, #tpu.memory_space<vmem>>, vector<16xf32>,
        tpu.vector_store %arg6[%swap3A_536, %swap3A_537, %swap3A_538, %swap3A_539, %swap3A_540], %broadcast_in_dim3A_3 {strides = array<i32>} : memref<21x1x1x8x128xf32, #tpu.memory_space<vmem>>, vector<16xf32>,
        %swap3A_542 = arith.constant 14 : i32
        %swap3A_543 = arith.constant 0 : i32
        %swap3A_544 = arith.constant 0 : i32
        %swap3A_545 = arith.index_cast %swap3A_542 : i32 to index
        %swap3A_546 = arith.index_cast %swap3A_543 : i32 to index
        %swap3A_547 = arith.index_cast %swap3A_544 : i32 to index
        %swap3A_548 = arith.index_cast %shift_right_logical3A_391 : i32 to index
        %swap3A_549 = arith.index_cast %mul3A_394 : i32 to index
        %swap3A_550 = tpu.vector_load %arg6[%swap3A_545, %swap3A_546, %swap3A_547, %swap3A_548, %swap3A_549] {strides = array<i32>} : memref<21x1x1x8x128xf32, #tpu.memory_space<vmem>>, vector<16xf32>,
        tpu.vector_store %arg6[%swap3A_545, %swap3A_546, %swap3A_547, %swap3A_548, %swap3A_549], %broadcast_in_dim3A_3 {strides = array<i32>} : memref<21x1x1x8x128xf32, #tpu.memory_space<vmem>>, vector<16xf32>,
        %swap3A_551 = arith.constant 15 : i32
        %swap3A_552 = arith.constant 0 : i32
        %swap3A_553 = arith.constant 0 : i32
        %swap3A_554 = arith.index_cast %swap3A_551 : i32 to index
        %swap3A_555 = arith.index_cast %swap3A_552 : i32 to index
        %swap3A_556 = arith.index_cast %swap3A_553 : i32 to index
        %swap3A_557 = arith.index_cast %shift_right_logical3A_391 : i32 to index
        %swap3A_558 = arith.index_cast %mul3A_394 : i32 to index
        %swap3A_559 = tpu.vector_load %arg6[%swap3A_554, %swap3A_555, %swap3A_556, %swap3A_557, %swap3A_558] {strides = array<i32>} : memref<21x1x1x8x128xf32, #tpu.memory_space<vmem>>, vector<16xf32>,
        tpu.vector_store %arg6[%swap3A_554, %swap3A_555, %swap3A_556, %swap3A_557, %swap3A_558], %broadcast_in_dim3A_3 {strides = array<i32>} : memref<21x1x1x8x128xf32, #tpu.memory_space<vmem>>, vector<16xf32>,
        %swap3A_560 = arith.constant 16 : i32
        %swap3A_561 = arith.constant 0 : i32
        %swap3A_562 = arith.constant 0 : i32
        %swap3A_563 = arith.index_cast %swap3A_560 : i32 to index
        %swap3A_564 = arith.index_cast %swap3A_561 : i32 to index
        %swap3A_565 = arith.index_cast %swap3A_562 : i32 to index
        %swap3A_566 = arith.index_cast %shift_right_logical3A_391 : i32 to index
        %swap3A_567 = arith.index_cast %mul3A_394 : i32 to index
        %swap3A_568 = tpu.vector_load %arg6[%swap3A_563, %swap3A_564, %swap3A_565, %swap3A_566, %swap3A_567] {strides = array<i32>} : memref<21x1x1x8x128xf32, #tpu.memory_space<vmem>>, vector<16xf32>,
        tpu.vector_store %arg6[%swap3A_563, %swap3A_564, %swap3A_565, %swap3A_566, %swap3A_567], %broadcast_in_dim3A_3 {strides = array<i32>} : memref<21x1x1x8x128xf32, #tpu.memory_space<vmem>>, vector<16xf32>,
        %swap3A_569 = arith.constant 17 : i32
        %swap3A_570 = arith.constant 0 : i32
        %swap3A_571 = arith.constant 0 : i32
        %swap3A_572 = arith.index_cast %swap3A_569 : i32 to index
        %swap3A_573 = arith.index_cast %swap3A_570 : i32 to index
        %swap3A_574 = arith.index_cast %swap3A_571 : i32 to index
        %swap3A_575 = arith.index_cast %shift_right_logical3A_391 : i32 to index
        %swap3A_576 = arith.index_cast %mul3A_394 : i32 to index
        %swap3A_577 = tpu.vector_load %arg6[%swap3A_572, %swap3A_573, %swap3A_574, %swap3A_575, %swap3A_576] {strides = array<i32>} : memref<21x1x1x8x128xf32, #tpu.memory_space<vmem>>, vector<16xf32>,
        tpu.vector_store %arg6[%swap3A_572, %swap3A_573, %swap3A_574, %swap3A_575, %swap3A_576], %broadcast_in_dim3A_3 {strides = array<i32>} : memref<21x1x1x8x128xf32, #tpu.memory_space<vmem>>, vector<16xf32>,
        %swap3A_578 = arith.constant 18 : i32
        %swap3A_579 = arith.constant 0 : i32
        %swap3A_580 = arith.constant 0 : i32
        %swap3A_581 = arith.index_cast %swap3A_578 : i32 to index
        %swap3A_582 = arith.index_cast %swap3A_579 : i32 to index
        %swap3A_583 = arith.index_cast %swap3A_580 : i32 to index
        %swap3A_584 = arith.index_cast %shift_right_logical3A_391 : i32 to index
        %swap3A_585 = arith.index_cast %mul3A_394 : i32 to index
        %swap3A_586 = tpu.vector_load %arg6[%swap3A_581, %swap3A_582, %swap3A_583, %swap3A_584, %swap3A_585] {strides = array<i32>} : memref<21x1x1x8x128xf32, #tpu.memory_space<vmem>>, vector<16xf32>,
        tpu.vector_store %arg6[%swap3A_581, %swap3A_582, %swap3A_583, %swap3A_584, %swap3A_585], %broadcast_in_dim3A_3 {strides = array<i32>} : memref<21x1x1x8x128xf32, #tpu.memory_space<vmem>>, vector<16xf32>,
        %swap3A_587 = arith.constant 19 : i32
        %swap3A_588 = arith.constant 0 : i32
        %swap3A_589 = arith.constant 0 : i32
        %swap3A_590 = arith.index_cast %swap3A_587 : i32 to index
        %swap3A_591 = arith.index_cast %swap3A_588 : i32 to index
        %swap3A_592 = arith.index_cast %swap3A_589 : i32 to index
        %swap3A_593 = arith.index_cast %shift_right_logical3A_391 : i32 to index
        %swap3A_594 = arith.index_cast %mul3A_394 : i32 to index
        %swap3A_595 = tpu.vector_load %arg6[%swap3A_590, %swap3A_591, %swap3A_592, %swap3A_593, %swap3A_594] {strides = array<i32>} : memref<21x1x1x8x128xf32, #tpu.memory_space<vmem>>, vector<16xf32>,
        tpu.vector_store %arg6[%swap3A_590, %swap3A_591, %swap3A_592, %swap3A_593, %swap3A_594], %broadcast_in_dim3A_3 {strides = array<i32>} : memref<21x1x1x8x128xf32, #tpu.memory_space<vmem>>, vector<16xf32>,
        %swap3A_596 = arith.constant 20 : i32
        %swap3A_597 = arith.constant 0 : i32
        %swap3A_598 = arith.constant 0 : i32
        %swap3A_599 = arith.index_cast %swap3A_596 : i32 to index
        %swap3A_600 = arith.index_cast %swap3A_597 : i32 to index
        %swap3A_601 = arith.index_cast %swap3A_598 : i32 to index
        %swap3A_602 = arith.index_cast %shift_right_logical3A_391 : i32 to index
        %swap3A_603 = arith.index_cast %mul3A_394 : i32 to index
        %swap3A_604 = tpu.vector_load %arg6[%swap3A_599, %swap3A_600, %swap3A_601, %swap3A_602, %swap3A_603] {strides = array<i32>} : memref<21x1x1x8x128xf32, #tpu.memory_space<vmem>>, vector<16xf32>,
        tpu.vector_store %arg6[%swap3A_599, %swap3A_600, %swap3A_601, %swap3A_602, %swap3A_603], %broadcast_in_dim3A_3 {strides = array<i32>} : memref<21x1x1x8x128xf32, #tpu.memory_space<vmem>>, vector<16xf32>,
        tpu.vector_store_idx %arg6[%min3A_415, %broadcast_in_dim3A_5, %broadcast_in_dim3A_5, %broadcast_in_dim3A_416, %add3A_396], %sub3A_409 : memref<21x1x1x8x128xf32, #tpu.memory_space<vmem>>[vector<16xi32>, vector<16xi32>, vector<16xi32>, vector<16xi32>, vector<16xi32>], vector<16xf32>,
        %sub3A_605 = arith.constant 1.000000e+00 : f32
        %sub3A_606 = vector.broadcast %sub3A_605 : f32 to vector<16xf32>
        %sub3A_607 = arith.subf %sub3A_606, %sub3A_409 : vector<16xf32>
        tpu.vector_store_idx %arg6[%convert_element_type3A_407, %broadcast_in_dim3A_5, %broadcast_in_dim3A_5, %broadcast_in_dim3A_416, %add3A_396], %sub3A_607 : memref<21x1x1x8x128xf32, #tpu.memory_space<vmem>>[vector<16xi32>, vector<16xi32>, vector<16xi32>, vector<16xi32>, vector<16xi32>], vector<16xf32>,
      }
      %scan3A_242 = arith.constant 64 : i32
      %add3A_243 = arith.addi %mul3A_2, %select_n3A_220 : i32
      %dma_start3A_244 = arith.constant 0 : i32
      %dma_start3A_245 = arith.constant 0 : i32
      %dma_start3A_246 = arith.constant 0 : i32
      %dma_start3A_247 = tpu.memref_slice %arg3[%dma_start3A_244, %select_n3A_224, %add3A_243, %dma_start3A_245, %dma_start3A_246] : memref<21x25x128x8x128xf32, #tpu.memory_space<hbm>> -> memref<21x1x1x8x128xf32, #tpu.memory_space<hbm>>
      %dma_start3A_248 = arith.constant 0 : i32
      %dma_start3A_249 = arith.constant 0 : i32
      %dma_start3A_250 = arith.constant 0 : i32
      %dma_start3A_251 = tpu.memref_slice %arg3[%dma_start3A_248, %select_n3A_224, %add3A_243, %dma_start3A_249, %dma_start3A_250] : memref<21x25x128x8x128xf32, #tpu.memory_space<hbm>> -> memref<21x1x1x8x128xf32, #tpu.memory_space<hbm>>
      tpu.enqueue_dma source(%arg6 : memref<21x1x1x8x128xf32, #tpu.memory_space<vmem>>) target(%dma_start3A_251 : memref<21x1x1x8x128xf32, #tpu.memory_space<hbm>>) target_semaphore(%arg16 : memref<!tpu.dma_semaphore, #tpu.memory_space<semaphore_mem>>)
      %add3A_252 = arith.constant 5 : i32
      %add3A_253 = arith.addi %select_n3A_224, %add3A_252 : i32
      %ge3A_254 = arith.constant 25 : i32
      %ge3A_255 = arith.cmpi sge, %add3A_253, %ge3A_254 : i32
      %add3A_256 = arith.constant 1 : i32
      %add3A_257 = arith.addi %select_n3A_220, %add3A_256 : i32
      %select_n3A_258 = arith.select %ge3A_255, %add3A_257, %select_n3A_220 : i32
      %add3A_259 = arith.constant 5 : i32
      %add3A_260 = arith.addi %select_n3A_224, %add3A_259 : i32
      %sub3A_261 = arith.constant 25 : i32
      %sub3A_262 = arith.subi %add3A_260, %sub3A_261 : i32
      %add3A_263 = arith.constant 5 : i32
      %add3A_264 = arith.addi %select_n3A_224, %add3A_263 : i32
      %select_n3A_265 = arith.select %ge3A_255, %sub3A_262, %add3A_264 : i32
      %lt3A_266 = arith.constant 4 : i32
      %lt3A_267 = arith.cmpi slt, %select_n3A_258, %lt3A_266 : i32
      %convert_element_type3A_268 = arith.extui %lt3A_267 : i1 to i32
      %cond3A_269 = arith.constant 0 : i32
      %cond3A_270 = arith.cmpi ne, %convert_element_type3A_268, %cond3A_269 : i32
      scf.if %cond3A_270 {
        %add3A_390 = arith.addi %mul3A_2, %select_n3A_258 : i32
        %dma_start3A_391 = arith.constant 0 : i32
        %dma_start3A_392 = arith.constant 0 : i32
        %dma_start3A_393 = tpu.memref_slice %arg2[%select_n3A_265, %add3A_390, %dma_start3A_391, %dma_start3A_392] : memref<25x128x8x128xf32, #tpu.memory_space<hbm>> -> memref<1x1x8x128xf32, #tpu.memory_space<hbm>>
        %dma_start3A_394 = arith.constant 0 : i32
        %dma_start3A_395 = arith.constant 0 : i32
        %dma_start3A_396 = tpu.memref_slice %arg2[%select_n3A_265, %add3A_390, %dma_start3A_394, %dma_start3A_395] : memref<25x128x8x128xf32, #tpu.memory_space<hbm>> -> memref<1x1x8x128xf32, #tpu.memory_space<hbm>>
        tpu.enqueue_dma source(%dma_start3A_396 : memref<1x1x8x128xf32, #tpu.memory_space<hbm>>) target(%arg11 : memref<1x1x8x128xf32, #tpu.memory_space<vmem>>) target_semaphore(%arg21 : memref<!tpu.dma_semaphore, #tpu.memory_space<semaphore_mem>>)
      } else {
      }
      %eq3A_271 = arith.constant 24 : i32
      %eq3A_272 = arith.cmpi eq, %select_n3A_224, %eq3A_271 : i32
      %add3A_273 = arith.constant 1 : i32
      %add3A_274 = arith.addi %select_n3A_220, %add3A_273 : i32
      %select_n3A_275 = arith.select %eq3A_272, %add3A_274, %select_n3A_220 : i32
      %add3A_276 = arith.constant 1 : i32
      %add3A_277 = arith.addi %select_n3A_224, %add3A_276 : i32
      %jit3A_278 = arith.constant 0 : i32
      %select_n3A_279 = arith.select %eq3A_272, %jit3A_278, %add3A_277 : i32
      %add3A_280 = arith.addi %mul3A_2, %select_n3A_275 : i32
      %dma_wait3A_281 = arith.constant 0 : i32
      %dma_wait3A_282 = arith.constant 0 : i32
      %dma_wait3A_283 = tpu.memref_slice %arg2[%select_n3A_279, %add3A_280, %dma_wait3A_281, %dma_wait3A_282] : memref<25x128x8x128xf32, #tpu.memory_space<hbm>> -> memref<1x1x8x128xf32, #tpu.memory_space<hbm>>
      %dma_wait3A_284 = arith.constant 0 : i32
      %dma_wait3A_285 = arith.constant 0 : i32
      %dma_wait3A_286 = tpu.memref_slice %arg2[%select_n3A_279, %add3A_280, %dma_wait3A_284, %dma_wait3A_285] : memref<25x128x8x128xf32, #tpu.memory_space<hbm>> -> memref<1x1x8x128xf32, #tpu.memory_space<hbm>>
      tpu.wait_dma2 semaphore(%arg22 : memref<!tpu.dma_semaphore, #tpu.memory_space<semaphore_mem>>) src(%dma_wait3A_286 : memref<1x1x8x128xf32, #tpu.memory_space<hbm>>) dst(%arg12 : memref<1x1x8x128xf32, #tpu.memory_space<vmem>>)
      %gt3A_287 = arith.constant 0 : i32
      %gt3A_288 = arith.cmpi sgt, %scan3A_121, %gt3A_287 : i32
      %convert_element_type3A_289 = arith.extui %gt3A_288 : i1 to i32
      %cond3A_290 = arith.constant 0 : i32
      %cond3A_291 = arith.cmpi ne, %convert_element_type3A_289, %cond3A_290 : i32
      scf.if %cond3A_291 {
        %add3A_390 = arith.addi %mul3A_2, %select_n3A_275 : i32
        %dma_wait3A_391 = arith.constant 0 : i32
        %dma_wait3A_392 = arith.constant 0 : i32
        %dma_wait3A_393 = arith.constant 0 : i32
        %dma_wait3A_394 = tpu.memref_slice %arg3[%dma_wait3A_391, %select_n3A_279, %add3A_390, %dma_wait3A_392, %dma_wait3A_393] : memref<21x25x128x8x128xf32, #tpu.memory_space<hbm>> -> memref<21x1x1x8x128xf32, #tpu.memory_space<hbm>>
        %dma_wait3A_395 = arith.constant 0 : i32
        %dma_wait3A_396 = arith.constant 0 : i32
        %dma_wait3A_397 = arith.constant 0 : i32
        %dma_wait3A_398 = tpu.memref_slice %arg3[%dma_wait3A_395, %select_n3A_279, %add3A_390, %dma_wait3A_396, %dma_wait3A_397] : memref<21x25x128x8x128xf32, #tpu.memory_space<hbm>> -> memref<21x1x1x8x128xf32, #tpu.memory_space<hbm>>
        tpu.wait_dma2 semaphore(%arg17 : memref<!tpu.dma_semaphore, #tpu.memory_space<semaphore_mem>>) src(%arg7 : memref<21x1x1x8x128xf32, #tpu.memory_space<vmem>>) dst(%dma_wait3A_398 : memref<21x1x1x8x128xf32, #tpu.memory_space<hbm>>)
      } else {
      }
      %scan3A_292 = arith.constant 0 : i32
      %scan3A_293 = arith.constant 0 : i32
      %scan3A_294 = arith.constant 64 : i32
      %scan3A_295 = arith.addi %scan3A_293, %scan3A_294 : i32
      %scan3A_296 = arith.constant 1 : i32
      scf.for %scan3A_390 = %scan3A_293 to %scan3A_295 step %scan3A_296  : i32 {
        %shift_right_logical3A = arith.constant 3 : i32
        %shift_right_logical3A_391 = arith.shrui %scan3A_390, %shift_right_logical3A : i32
        %and3A = arith.constant 7 : i32
        %and3A_392 = arith.andi %scan3A_390, %and3A : i32
        %mul3A_393 = arith.constant 16 : i32
        %mul3A_394 = arith.muli %and3A_392, %mul3A_393 : i32
        %add3A_395 = vector.broadcast %mul3A_394 : i32 to vector<16xi32>
        %add3A_396 = arith.addi %add3A_395, %iota3A : vector<16xi32>
        %get3A = arith.constant 0 : i32
        %get3A_397 = arith.constant 0 : i32
        %get3A_398 = arith.index_cast %get3A : i32 to index
        %get3A_399 = arith.index_cast %get3A_397 : i32 to index
        %get3A_400 = arith.index_cast %shift_right_logical3A_391 : i32 to index
        %get3A_401 = arith.index_cast %mul3A_394 : i32 to index
        %get3A_402 = tpu.vector_load %arg12[%get3A_398, %get3A_399, %get3A_400, %get3A_401] {strides = array<i32>} : memref<1x1x8x128xf32, #tpu.memory_space<vmem>>, vector<16xf32>,
        %max3A = arith.constant 0.000000e+00 : f32
        %max3A_403 = vector.broadcast %max3A : f32 to vector<16xf32>
        %max3A_404 = arith.maximumf %get3A_402, %max3A_403 : vector<16xf32>
        %min3A = arith.constant 2.000000e+01 : f32
        %min3A_405 = vector.broadcast %min3A : f32 to vector<16xf32>
        %min3A_406 = arith.minimumf %max3A_404, %min3A_405 : vector<16xf32>
        %convert_element_type3A_407 = arith.fptosi %min3A_406 : vector<16xf32> to vector<16xi32>
        %convert_element_type3A_408 = arith.sitofp %convert_element_type3A_407 : vector<16xi32> to vector<16xf32>
        %sub3A_409 = arith.subf %min3A_406, %convert_element_type3A_408 : vector<16xf32>
        %add3A_410 = arith.constant 1 : i32
        %add3A_411 = vector.broadcast %add3A_410 : i32 to vector<16xi32>
        %add3A_412 = arith.addi %convert_element_type3A_407, %add3A_411 : vector<16xi32>
        %min3A_413 = arith.constant 20 : i32
        %min3A_414 = vector.broadcast %min3A_413 : i32 to vector<16xi32>
        %min3A_415 = arith.minsi %add3A_412, %min3A_414 : vector<16xi32>
        %broadcast_in_dim3A_416 = vector.broadcast %shift_right_logical3A_391 : i32 to vector<16xi32>
        %swap3A = arith.constant 0 : i32
        %swap3A_417 = arith.constant 0 : i32
        %swap3A_418 = arith.constant 0 : i32
        %swap3A_419 = arith.index_cast %swap3A : i32 to index
        %swap3A_420 = arith.index_cast %swap3A_417 : i32 to index
        %swap3A_421 = arith.index_cast %swap3A_418 : i32 to index
        %swap3A_422 = arith.index_cast %shift_right_logical3A_391 : i32 to index
        %swap3A_423 = arith.index_cast %mul3A_394 : i32 to index
        %swap3A_424 = tpu.vector_load %arg7[%swap3A_419, %swap3A_420, %swap3A_421, %swap3A_422, %swap3A_423] {strides = array<i32>} : memref<21x1x1x8x128xf32, #tpu.memory_space<vmem>>, vector<16xf32>,
        tpu.vector_store %arg7[%swap3A_419, %swap3A_420, %swap3A_421, %swap3A_422, %swap3A_423], %broadcast_in_dim3A_3 {strides = array<i32>} : memref<21x1x1x8x128xf32, #tpu.memory_space<vmem>>, vector<16xf32>,
        %swap3A_425 = arith.constant 1 : i32
        %swap3A_426 = arith.constant 0 : i32
        %swap3A_427 = arith.constant 0 : i32
        %swap3A_428 = arith.index_cast %swap3A_425 : i32 to index
        %swap3A_429 = arith.index_cast %swap3A_426 : i32 to index
        %swap3A_430 = arith.index_cast %swap3A_427 : i32 to index
        %swap3A_431 = arith.index_cast %shift_right_logical3A_391 : i32 to index
        %swap3A_432 = arith.index_cast %mul3A_394 : i32 to index
        %swap3A_433 = tpu.vector_load %arg7[%swap3A_428, %swap3A_429, %swap3A_430, %swap3A_431, %swap3A_432] {strides = array<i32>} : memref<21x1x1x8x128xf32, #tpu.memory_space<vmem>>, vector<16xf32>,
        tpu.vector_store %arg7[%swap3A_428, %swap3A_429, %swap3A_430, %swap3A_431, %swap3A_432], %broadcast_in_dim3A_3 {strides = array<i32>} : memref<21x1x1x8x128xf32, #tpu.memory_space<vmem>>, vector<16xf32>,
        %swap3A_434 = arith.constant 2 : i32
        %swap3A_435 = arith.constant 0 : i32
        %swap3A_436 = arith.constant 0 : i32
        %swap3A_437 = arith.index_cast %swap3A_434 : i32 to index
        %swap3A_438 = arith.index_cast %swap3A_435 : i32 to index
        %swap3A_439 = arith.index_cast %swap3A_436 : i32 to index
        %swap3A_440 = arith.index_cast %shift_right_logical3A_391 : i32 to index
        %swap3A_441 = arith.index_cast %mul3A_394 : i32 to index
        %swap3A_442 = tpu.vector_load %arg7[%swap3A_437, %swap3A_438, %swap3A_439, %swap3A_440, %swap3A_441] {strides = array<i32>} : memref<21x1x1x8x128xf32, #tpu.memory_space<vmem>>, vector<16xf32>,
        tpu.vector_store %arg7[%swap3A_437, %swap3A_438, %swap3A_439, %swap3A_440, %swap3A_441], %broadcast_in_dim3A_3 {strides = array<i32>} : memref<21x1x1x8x128xf32, #tpu.memory_space<vmem>>, vector<16xf32>,
        %swap3A_443 = arith.constant 3 : i32
        %swap3A_444 = arith.constant 0 : i32
        %swap3A_445 = arith.constant 0 : i32
        %swap3A_446 = arith.index_cast %swap3A_443 : i32 to index
        %swap3A_447 = arith.index_cast %swap3A_444 : i32 to index
        %swap3A_448 = arith.index_cast %swap3A_445 : i32 to index
        %swap3A_449 = arith.index_cast %shift_right_logical3A_391 : i32 to index
        %swap3A_450 = arith.index_cast %mul3A_394 : i32 to index
        %swap3A_451 = tpu.vector_load %arg7[%swap3A_446, %swap3A_447, %swap3A_448, %swap3A_449, %swap3A_450] {strides = array<i32>} : memref<21x1x1x8x128xf32, #tpu.memory_space<vmem>>, vector<16xf32>,
        tpu.vector_store %arg7[%swap3A_446, %swap3A_447, %swap3A_448, %swap3A_449, %swap3A_450], %broadcast_in_dim3A_3 {strides = array<i32>} : memref<21x1x1x8x128xf32, #tpu.memory_space<vmem>>, vector<16xf32>,
        %swap3A_452 = arith.constant 4 : i32
        %swap3A_453 = arith.constant 0 : i32
        %swap3A_454 = arith.constant 0 : i32
        %swap3A_455 = arith.index_cast %swap3A_452 : i32 to index
        %swap3A_456 = arith.index_cast %swap3A_453 : i32 to index
        %swap3A_457 = arith.index_cast %swap3A_454 : i32 to index
        %swap3A_458 = arith.index_cast %shift_right_logical3A_391 : i32 to index
        %swap3A_459 = arith.index_cast %mul3A_394 : i32 to index
        %swap3A_460 = tpu.vector_load %arg7[%swap3A_455, %swap3A_456, %swap3A_457, %swap3A_458, %swap3A_459] {strides = array<i32>} : memref<21x1x1x8x128xf32, #tpu.memory_space<vmem>>, vector<16xf32>,
        tpu.vector_store %arg7[%swap3A_455, %swap3A_456, %swap3A_457, %swap3A_458, %swap3A_459], %broadcast_in_dim3A_3 {strides = array<i32>} : memref<21x1x1x8x128xf32, #tpu.memory_space<vmem>>, vector<16xf32>,
        %swap3A_461 = arith.constant 5 : i32
        %swap3A_462 = arith.constant 0 : i32
        %swap3A_463 = arith.constant 0 : i32
        %swap3A_464 = arith.index_cast %swap3A_461 : i32 to index
        %swap3A_465 = arith.index_cast %swap3A_462 : i32 to index
        %swap3A_466 = arith.index_cast %swap3A_463 : i32 to index
        %swap3A_467 = arith.index_cast %shift_right_logical3A_391 : i32 to index
        %swap3A_468 = arith.index_cast %mul3A_394 : i32 to index
        %swap3A_469 = tpu.vector_load %arg7[%swap3A_464, %swap3A_465, %swap3A_466, %swap3A_467, %swap3A_468] {strides = array<i32>} : memref<21x1x1x8x128xf32, #tpu.memory_space<vmem>>, vector<16xf32>,
        tpu.vector_store %arg7[%swap3A_464, %swap3A_465, %swap3A_466, %swap3A_467, %swap3A_468], %broadcast_in_dim3A_3 {strides = array<i32>} : memref<21x1x1x8x128xf32, #tpu.memory_space<vmem>>, vector<16xf32>,
        %swap3A_470 = arith.constant 6 : i32
        %swap3A_471 = arith.constant 0 : i32
        %swap3A_472 = arith.constant 0 : i32
        %swap3A_473 = arith.index_cast %swap3A_470 : i32 to index
        %swap3A_474 = arith.index_cast %swap3A_471 : i32 to index
        %swap3A_475 = arith.index_cast %swap3A_472 : i32 to index
        %swap3A_476 = arith.index_cast %shift_right_logical3A_391 : i32 to index
        %swap3A_477 = arith.index_cast %mul3A_394 : i32 to index
        %swap3A_478 = tpu.vector_load %arg7[%swap3A_473, %swap3A_474, %swap3A_475, %swap3A_476, %swap3A_477] {strides = array<i32>} : memref<21x1x1x8x128xf32, #tpu.memory_space<vmem>>, vector<16xf32>,
        tpu.vector_store %arg7[%swap3A_473, %swap3A_474, %swap3A_475, %swap3A_476, %swap3A_477], %broadcast_in_dim3A_3 {strides = array<i32>} : memref<21x1x1x8x128xf32, #tpu.memory_space<vmem>>, vector<16xf32>,
        %swap3A_479 = arith.constant 7 : i32
        %swap3A_480 = arith.constant 0 : i32
        %swap3A_481 = arith.constant 0 : i32
        %swap3A_482 = arith.index_cast %swap3A_479 : i32 to index
        %swap3A_483 = arith.index_cast %swap3A_480 : i32 to index
        %swap3A_484 = arith.index_cast %swap3A_481 : i32 to index
        %swap3A_485 = arith.index_cast %shift_right_logical3A_391 : i32 to index
        %swap3A_486 = arith.index_cast %mul3A_394 : i32 to index
        %swap3A_487 = tpu.vector_load %arg7[%swap3A_482, %swap3A_483, %swap3A_484, %swap3A_485, %swap3A_486] {strides = array<i32>} : memref<21x1x1x8x128xf32, #tpu.memory_space<vmem>>, vector<16xf32>,
        tpu.vector_store %arg7[%swap3A_482, %swap3A_483, %swap3A_484, %swap3A_485, %swap3A_486], %broadcast_in_dim3A_3 {strides = array<i32>} : memref<21x1x1x8x128xf32, #tpu.memory_space<vmem>>, vector<16xf32>,
        %swap3A_488 = arith.constant 8 : i32
        %swap3A_489 = arith.constant 0 : i32
        %swap3A_490 = arith.constant 0 : i32
        %swap3A_491 = arith.index_cast %swap3A_488 : i32 to index
        %swap3A_492 = arith.index_cast %swap3A_489 : i32 to index
        %swap3A_493 = arith.index_cast %swap3A_490 : i32 to index
        %swap3A_494 = arith.index_cast %shift_right_logical3A_391 : i32 to index
        %swap3A_495 = arith.index_cast %mul3A_394 : i32 to index
        %swap3A_496 = tpu.vector_load %arg7[%swap3A_491, %swap3A_492, %swap3A_493, %swap3A_494, %swap3A_495] {strides = array<i32>} : memref<21x1x1x8x128xf32, #tpu.memory_space<vmem>>, vector<16xf32>,
        tpu.vector_store %arg7[%swap3A_491, %swap3A_492, %swap3A_493, %swap3A_494, %swap3A_495], %broadcast_in_dim3A_3 {strides = array<i32>} : memref<21x1x1x8x128xf32, #tpu.memory_space<vmem>>, vector<16xf32>,
        %swap3A_497 = arith.constant 9 : i32
        %swap3A_498 = arith.constant 0 : i32
        %swap3A_499 = arith.constant 0 : i32
        %swap3A_500 = arith.index_cast %swap3A_497 : i32 to index
        %swap3A_501 = arith.index_cast %swap3A_498 : i32 to index
        %swap3A_502 = arith.index_cast %swap3A_499 : i32 to index
        %swap3A_503 = arith.index_cast %shift_right_logical3A_391 : i32 to index
        %swap3A_504 = arith.index_cast %mul3A_394 : i32 to index
        %swap3A_505 = tpu.vector_load %arg7[%swap3A_500, %swap3A_501, %swap3A_502, %swap3A_503, %swap3A_504] {strides = array<i32>} : memref<21x1x1x8x128xf32, #tpu.memory_space<vmem>>, vector<16xf32>,
        tpu.vector_store %arg7[%swap3A_500, %swap3A_501, %swap3A_502, %swap3A_503, %swap3A_504], %broadcast_in_dim3A_3 {strides = array<i32>} : memref<21x1x1x8x128xf32, #tpu.memory_space<vmem>>, vector<16xf32>,
        %swap3A_506 = arith.constant 10 : i32
        %swap3A_507 = arith.constant 0 : i32
        %swap3A_508 = arith.constant 0 : i32
        %swap3A_509 = arith.index_cast %swap3A_506 : i32 to index
        %swap3A_510 = arith.index_cast %swap3A_507 : i32 to index
        %swap3A_511 = arith.index_cast %swap3A_508 : i32 to index
        %swap3A_512 = arith.index_cast %shift_right_logical3A_391 : i32 to index
        %swap3A_513 = arith.index_cast %mul3A_394 : i32 to index
        %swap3A_514 = tpu.vector_load %arg7[%swap3A_509, %swap3A_510, %swap3A_511, %swap3A_512, %swap3A_513] {strides = array<i32>} : memref<21x1x1x8x128xf32, #tpu.memory_space<vmem>>, vector<16xf32>,
        tpu.vector_store %arg7[%swap3A_509, %swap3A_510, %swap3A_511, %swap3A_512, %swap3A_513], %broadcast_in_dim3A_3 {strides = array<i32>} : memref<21x1x1x8x128xf32, #tpu.memory_space<vmem>>, vector<16xf32>,
        %swap3A_515 = arith.constant 11 : i32
        %swap3A_516 = arith.constant 0 : i32
        %swap3A_517 = arith.constant 0 : i32
        %swap3A_518 = arith.index_cast %swap3A_515 : i32 to index
        %swap3A_519 = arith.index_cast %swap3A_516 : i32 to index
        %swap3A_520 = arith.index_cast %swap3A_517 : i32 to index
        %swap3A_521 = arith.index_cast %shift_right_logical3A_391 : i32 to index
        %swap3A_522 = arith.index_cast %mul3A_394 : i32 to index
        %swap3A_523 = tpu.vector_load %arg7[%swap3A_518, %swap3A_519, %swap3A_520, %swap3A_521, %swap3A_522] {strides = array<i32>} : memref<21x1x1x8x128xf32, #tpu.memory_space<vmem>>, vector<16xf32>,
        tpu.vector_store %arg7[%swap3A_518, %swap3A_519, %swap3A_520, %swap3A_521, %swap3A_522], %broadcast_in_dim3A_3 {strides = array<i32>} : memref<21x1x1x8x128xf32, #tpu.memory_space<vmem>>, vector<16xf32>,
        %swap3A_524 = arith.constant 12 : i32
        %swap3A_525 = arith.constant 0 : i32
        %swap3A_526 = arith.constant 0 : i32
        %swap3A_527 = arith.index_cast %swap3A_524 : i32 to index
        %swap3A_528 = arith.index_cast %swap3A_525 : i32 to index
        %swap3A_529 = arith.index_cast %swap3A_526 : i32 to index
        %swap3A_530 = arith.index_cast %shift_right_logical3A_391 : i32 to index
        %swap3A_531 = arith.index_cast %mul3A_394 : i32 to index
        %swap3A_532 = tpu.vector_load %arg7[%swap3A_527, %swap3A_528, %swap3A_529, %swap3A_530, %swap3A_531] {strides = array<i32>} : memref<21x1x1x8x128xf32, #tpu.memory_space<vmem>>, vector<16xf32>,
        tpu.vector_store %arg7[%swap3A_527, %swap3A_528, %swap3A_529, %swap3A_530, %swap3A_531], %broadcast_in_dim3A_3 {strides = array<i32>} : memref<21x1x1x8x128xf32, #tpu.memory_space<vmem>>, vector<16xf32>,
        %swap3A_533 = arith.constant 13 : i32
        %swap3A_534 = arith.constant 0 : i32
        %swap3A_535 = arith.constant 0 : i32
        %swap3A_536 = arith.index_cast %swap3A_533 : i32 to index
        %swap3A_537 = arith.index_cast %swap3A_534 : i32 to index
        %swap3A_538 = arith.index_cast %swap3A_535 : i32 to index
        %swap3A_539 = arith.index_cast %shift_right_logical3A_391 : i32 to index
        %swap3A_540 = arith.index_cast %mul3A_394 : i32 to index
        %swap3A_541 = tpu.vector_load %arg7[%swap3A_536, %swap3A_537, %swap3A_538, %swap3A_539, %swap3A_540] {strides = array<i32>} : memref<21x1x1x8x128xf32, #tpu.memory_space<vmem>>, vector<16xf32>,
        tpu.vector_store %arg7[%swap3A_536, %swap3A_537, %swap3A_538, %swap3A_539, %swap3A_540], %broadcast_in_dim3A_3 {strides = array<i32>} : memref<21x1x1x8x128xf32, #tpu.memory_space<vmem>>, vector<16xf32>,
        %swap3A_542 = arith.constant 14 : i32
        %swap3A_543 = arith.constant 0 : i32
        %swap3A_544 = arith.constant 0 : i32
        %swap3A_545 = arith.index_cast %swap3A_542 : i32 to index
        %swap3A_546 = arith.index_cast %swap3A_543 : i32 to index
        %swap3A_547 = arith.index_cast %swap3A_544 : i32 to index
        %swap3A_548 = arith.index_cast %shift_right_logical3A_391 : i32 to index
        %swap3A_549 = arith.index_cast %mul3A_394 : i32 to index
        %swap3A_550 = tpu.vector_load %arg7[%swap3A_545, %swap3A_546, %swap3A_547, %swap3A_548, %swap3A_549] {strides = array<i32>} : memref<21x1x1x8x128xf32, #tpu.memory_space<vmem>>, vector<16xf32>,
        tpu.vector_store %arg7[%swap3A_545, %swap3A_546, %swap3A_547, %swap3A_548, %swap3A_549], %broadcast_in_dim3A_3 {strides = array<i32>} : memref<21x1x1x8x128xf32, #tpu.memory_space<vmem>>, vector<16xf32>,
        %swap3A_551 = arith.constant 15 : i32
        %swap3A_552 = arith.constant 0 : i32
        %swap3A_553 = arith.constant 0 : i32
        %swap3A_554 = arith.index_cast %swap3A_551 : i32 to index
        %swap3A_555 = arith.index_cast %swap3A_552 : i32 to index
        %swap3A_556 = arith.index_cast %swap3A_553 : i32 to index
        %swap3A_557 = arith.index_cast %shift_right_logical3A_391 : i32 to index
        %swap3A_558 = arith.index_cast %mul3A_394 : i32 to index
        %swap3A_559 = tpu.vector_load %arg7[%swap3A_554, %swap3A_555, %swap3A_556, %swap3A_557, %swap3A_558] {strides = array<i32>} : memref<21x1x1x8x128xf32, #tpu.memory_space<vmem>>, vector<16xf32>,
        tpu.vector_store %arg7[%swap3A_554, %swap3A_555, %swap3A_556, %swap3A_557, %swap3A_558], %broadcast_in_dim3A_3 {strides = array<i32>} : memref<21x1x1x8x128xf32, #tpu.memory_space<vmem>>, vector<16xf32>,
        %swap3A_560 = arith.constant 16 : i32
        %swap3A_561 = arith.constant 0 : i32
        %swap3A_562 = arith.constant 0 : i32
        %swap3A_563 = arith.index_cast %swap3A_560 : i32 to index
        %swap3A_564 = arith.index_cast %swap3A_561 : i32 to index
        %swap3A_565 = arith.index_cast %swap3A_562 : i32 to index
        %swap3A_566 = arith.index_cast %shift_right_logical3A_391 : i32 to index
        %swap3A_567 = arith.index_cast %mul3A_394 : i32 to index
        %swap3A_568 = tpu.vector_load %arg7[%swap3A_563, %swap3A_564, %swap3A_565, %swap3A_566, %swap3A_567] {strides = array<i32>} : memref<21x1x1x8x128xf32, #tpu.memory_space<vmem>>, vector<16xf32>,
        tpu.vector_store %arg7[%swap3A_563, %swap3A_564, %swap3A_565, %swap3A_566, %swap3A_567], %broadcast_in_dim3A_3 {strides = array<i32>} : memref<21x1x1x8x128xf32, #tpu.memory_space<vmem>>, vector<16xf32>,
        %swap3A_569 = arith.constant 17 : i32
        %swap3A_570 = arith.constant 0 : i32
        %swap3A_571 = arith.constant 0 : i32
        %swap3A_572 = arith.index_cast %swap3A_569 : i32 to index
        %swap3A_573 = arith.index_cast %swap3A_570 : i32 to index
        %swap3A_574 = arith.index_cast %swap3A_571 : i32 to index
        %swap3A_575 = arith.index_cast %shift_right_logical3A_391 : i32 to index
        %swap3A_576 = arith.index_cast %mul3A_394 : i32 to index
        %swap3A_577 = tpu.vector_load %arg7[%swap3A_572, %swap3A_573, %swap3A_574, %swap3A_575, %swap3A_576] {strides = array<i32>} : memref<21x1x1x8x128xf32, #tpu.memory_space<vmem>>, vector<16xf32>,
        tpu.vector_store %arg7[%swap3A_572, %swap3A_573, %swap3A_574, %swap3A_575, %swap3A_576], %broadcast_in_dim3A_3 {strides = array<i32>} : memref<21x1x1x8x128xf32, #tpu.memory_space<vmem>>, vector<16xf32>,
        %swap3A_578 = arith.constant 18 : i32
        %swap3A_579 = arith.constant 0 : i32
        %swap3A_580 = arith.constant 0 : i32
        %swap3A_581 = arith.index_cast %swap3A_578 : i32 to index
        %swap3A_582 = arith.index_cast %swap3A_579 : i32 to index
        %swap3A_583 = arith.index_cast %swap3A_580 : i32 to index
        %swap3A_584 = arith.index_cast %shift_right_logical3A_391 : i32 to index
        %swap3A_585 = arith.index_cast %mul3A_394 : i32 to index
        %swap3A_586 = tpu.vector_load %arg7[%swap3A_581, %swap3A_582, %swap3A_583, %swap3A_584, %swap3A_585] {strides = array<i32>} : memref<21x1x1x8x128xf32, #tpu.memory_space<vmem>>, vector<16xf32>,
        tpu.vector_store %arg7[%swap3A_581, %swap3A_582, %swap3A_583, %swap3A_584, %swap3A_585], %broadcast_in_dim3A_3 {strides = array<i32>} : memref<21x1x1x8x128xf32, #tpu.memory_space<vmem>>, vector<16xf32>,
        %swap3A_587 = arith.constant 19 : i32
        %swap3A_588 = arith.constant 0 : i32
        %swap3A_589 = arith.constant 0 : i32
        %swap3A_590 = arith.index_cast %swap3A_587 : i32 to index
        %swap3A_591 = arith.index_cast %swap3A_588 : i32 to index
        %swap3A_592 = arith.index_cast %swap3A_589 : i32 to index
        %swap3A_593 = arith.index_cast %shift_right_logical3A_391 : i32 to index
        %swap3A_594 = arith.index_cast %mul3A_394 : i32 to index
        %swap3A_595 = tpu.vector_load %arg7[%swap3A_590, %swap3A_591, %swap3A_592, %swap3A_593, %swap3A_594] {strides = array<i32>} : memref<21x1x1x8x128xf32, #tpu.memory_space<vmem>>, vector<16xf32>,
        tpu.vector_store %arg7[%swap3A_590, %swap3A_591, %swap3A_592, %swap3A_593, %swap3A_594], %broadcast_in_dim3A_3 {strides = array<i32>} : memref<21x1x1x8x128xf32, #tpu.memory_space<vmem>>, vector<16xf32>,
        %swap3A_596 = arith.constant 20 : i32
        %swap3A_597 = arith.constant 0 : i32
        %swap3A_598 = arith.constant 0 : i32
        %swap3A_599 = arith.index_cast %swap3A_596 : i32 to index
        %swap3A_600 = arith.index_cast %swap3A_597 : i32 to index
        %swap3A_601 = arith.index_cast %swap3A_598 : i32 to index
        %swap3A_602 = arith.index_cast %shift_right_logical3A_391 : i32 to index
        %swap3A_603 = arith.index_cast %mul3A_394 : i32 to index
        %swap3A_604 = tpu.vector_load %arg7[%swap3A_599, %swap3A_600, %swap3A_601, %swap3A_602, %swap3A_603] {strides = array<i32>} : memref<21x1x1x8x128xf32, #tpu.memory_space<vmem>>, vector<16xf32>,
        tpu.vector_store %arg7[%swap3A_599, %swap3A_600, %swap3A_601, %swap3A_602, %swap3A_603], %broadcast_in_dim3A_3 {strides = array<i32>} : memref<21x1x1x8x128xf32, #tpu.memory_space<vmem>>, vector<16xf32>,
        tpu.vector_store_idx %arg7[%min3A_415, %broadcast_in_dim3A_5, %broadcast_in_dim3A_5, %broadcast_in_dim3A_416, %add3A_396], %sub3A_409 : memref<21x1x1x8x128xf32, #tpu.memory_space<vmem>>[vector<16xi32>, vector<16xi32>, vector<16xi32>, vector<16xi32>, vector<16xi32>], vector<16xf32>,
        %sub3A_605 = arith.constant 1.000000e+00 : f32
        %sub3A_606 = vector.broadcast %sub3A_605 : f32 to vector<16xf32>
        %sub3A_607 = arith.subf %sub3A_606, %sub3A_409 : vector<16xf32>
        tpu.vector_store_idx %arg7[%convert_element_type3A_407, %broadcast_in_dim3A_5, %broadcast_in_dim3A_5, %broadcast_in_dim3A_416, %add3A_396], %sub3A_607 : memref<21x1x1x8x128xf32, #tpu.memory_space<vmem>>[vector<16xi32>, vector<16xi32>, vector<16xi32>, vector<16xi32>, vector<16xi32>], vector<16xf32>,
      }
      %scan3A_297 = arith.constant 64 : i32
      %add3A_298 = arith.addi %mul3A_2, %select_n3A_275 : i32
      %dma_start3A_299 = arith.constant 0 : i32
      %dma_start3A_300 = arith.constant 0 : i32
      %dma_start3A_301 = arith.constant 0 : i32
      %dma_start3A_302 = tpu.memref_slice %arg3[%dma_start3A_299, %select_n3A_279, %add3A_298, %dma_start3A_300, %dma_start3A_301] : memref<21x25x128x8x128xf32, #tpu.memory_space<hbm>> -> memref<21x1x1x8x128xf32, #tpu.memory_space<hbm>>
      %dma_start3A_303 = arith.constant 0 : i32
      %dma_start3A_304 = arith.constant 0 : i32
      %dma_start3A_305 = arith.constant 0 : i32
      %dma_start3A_306 = tpu.memref_slice %arg3[%dma_start3A_303, %select_n3A_279, %add3A_298, %dma_start3A_304, %dma_start3A_305] : memref<21x25x128x8x128xf32, #tpu.memory_space<hbm>> -> memref<21x1x1x8x128xf32, #tpu.memory_space<hbm>>
      tpu.enqueue_dma source(%arg7 : memref<21x1x1x8x128xf32, #tpu.memory_space<vmem>>) target(%dma_start3A_306 : memref<21x1x1x8x128xf32, #tpu.memory_space<hbm>>) target_semaphore(%arg17 : memref<!tpu.dma_semaphore, #tpu.memory_space<semaphore_mem>>)
      %add3A_307 = arith.constant 5 : i32
      %add3A_308 = arith.addi %select_n3A_279, %add3A_307 : i32
      %ge3A_309 = arith.constant 25 : i32
      %ge3A_310 = arith.cmpi sge, %add3A_308, %ge3A_309 : i32
      %add3A_311 = arith.constant 1 : i32
      %add3A_312 = arith.addi %select_n3A_275, %add3A_311 : i32
      %select_n3A_313 = arith.select %ge3A_310, %add3A_312, %select_n3A_275 : i32
      %add3A_314 = arith.constant 5 : i32
      %add3A_315 = arith.addi %select_n3A_279, %add3A_314 : i32
      %sub3A_316 = arith.constant 25 : i32
      %sub3A_317 = arith.subi %add3A_315, %sub3A_316 : i32
      %add3A_318 = arith.constant 5 : i32
      %add3A_319 = arith.addi %select_n3A_279, %add3A_318 : i32
      %select_n3A_320 = arith.select %ge3A_310, %sub3A_317, %add3A_319 : i32
      %lt3A_321 = arith.constant 4 : i32
      %lt3A_322 = arith.cmpi slt, %select_n3A_313, %lt3A_321 : i32
      %convert_element_type3A_323 = arith.extui %lt3A_322 : i1 to i32
      %cond3A_324 = arith.constant 0 : i32
      %cond3A_325 = arith.cmpi ne, %convert_element_type3A_323, %cond3A_324 : i32
      scf.if %cond3A_325 {
        %add3A_390 = arith.addi %mul3A_2, %select_n3A_313 : i32
        %dma_start3A_391 = arith.constant 0 : i32
        %dma_start3A_392 = arith.constant 0 : i32
        %dma_start3A_393 = tpu.memref_slice %arg2[%select_n3A_320, %add3A_390, %dma_start3A_391, %dma_start3A_392] : memref<25x128x8x128xf32, #tpu.memory_space<hbm>> -> memref<1x1x8x128xf32, #tpu.memory_space<hbm>>
        %dma_start3A_394 = arith.constant 0 : i32
        %dma_start3A_395 = arith.constant 0 : i32
        %dma_start3A_396 = tpu.memref_slice %arg2[%select_n3A_320, %add3A_390, %dma_start3A_394, %dma_start3A_395] : memref<25x128x8x128xf32, #tpu.memory_space<hbm>> -> memref<1x1x8x128xf32, #tpu.memory_space<hbm>>
        tpu.enqueue_dma source(%dma_start3A_396 : memref<1x1x8x128xf32, #tpu.memory_space<hbm>>) target(%arg12 : memref<1x1x8x128xf32, #tpu.memory_space<vmem>>) target_semaphore(%arg22 : memref<!tpu.dma_semaphore, #tpu.memory_space<semaphore_mem>>)
      } else {
      }
      %eq3A_326 = arith.constant 24 : i32
      %eq3A_327 = arith.cmpi eq, %select_n3A_279, %eq3A_326 : i32
      %add3A_328 = arith.constant 1 : i32
      %add3A_329 = arith.addi %select_n3A_275, %add3A_328 : i32
      %select_n3A_330 = arith.select %eq3A_327, %add3A_329, %select_n3A_275 : i32
      %add3A_331 = arith.constant 1 : i32
      %add3A_332 = arith.addi %select_n3A_279, %add3A_331 : i32
      %jit3A_333 = arith.constant 0 : i32
      %select_n3A_334 = arith.select %eq3A_327, %jit3A_333, %add3A_332 : i32
      %add3A_335 = arith.addi %mul3A_2, %select_n3A_330 : i32
      %dma_wait3A_336 = arith.constant 0 : i32
      %dma_wait3A_337 = arith.constant 0 : i32
      %dma_wait3A_338 = tpu.memref_slice %arg2[%select_n3A_334, %add3A_335, %dma_wait3A_336, %dma_wait3A_337] : memref<25x128x8x128xf32, #tpu.memory_space<hbm>> -> memref<1x1x8x128xf32, #tpu.memory_space<hbm>>
      %dma_wait3A_339 = arith.constant 0 : i32
      %dma_wait3A_340 = arith.constant 0 : i32
      %dma_wait3A_341 = tpu.memref_slice %arg2[%select_n3A_334, %add3A_335, %dma_wait3A_339, %dma_wait3A_340] : memref<25x128x8x128xf32, #tpu.memory_space<hbm>> -> memref<1x1x8x128xf32, #tpu.memory_space<hbm>>
      tpu.wait_dma2 semaphore(%arg23 : memref<!tpu.dma_semaphore, #tpu.memory_space<semaphore_mem>>) src(%dma_wait3A_341 : memref<1x1x8x128xf32, #tpu.memory_space<hbm>>) dst(%arg13 : memref<1x1x8x128xf32, #tpu.memory_space<vmem>>)
      %gt3A_342 = arith.constant 0 : i32
      %gt3A_343 = arith.cmpi sgt, %scan3A_121, %gt3A_342 : i32
      %convert_element_type3A_344 = arith.extui %gt3A_343 : i1 to i32
      %cond3A_345 = arith.constant 0 : i32
      %cond3A_346 = arith.cmpi ne, %convert_element_type3A_344, %cond3A_345 : i32
      scf.if %cond3A_346 {
        %add3A_390 = arith.addi %mul3A_2, %select_n3A_330 : i32
        %dma_wait3A_391 = arith.constant 0 : i32
        %dma_wait3A_392 = arith.constant 0 : i32
        %dma_wait3A_393 = arith.constant 0 : i32
        %dma_wait3A_394 = tpu.memref_slice %arg3[%dma_wait3A_391, %select_n3A_334, %add3A_390, %dma_wait3A_392, %dma_wait3A_393] : memref<21x25x128x8x128xf32, #tpu.memory_space<hbm>> -> memref<21x1x1x8x128xf32, #tpu.memory_space<hbm>>
        %dma_wait3A_395 = arith.constant 0 : i32
        %dma_wait3A_396 = arith.constant 0 : i32
        %dma_wait3A_397 = arith.constant 0 : i32
        %dma_wait3A_398 = tpu.memref_slice %arg3[%dma_wait3A_395, %select_n3A_334, %add3A_390, %dma_wait3A_396, %dma_wait3A_397] : memref<21x25x128x8x128xf32, #tpu.memory_space<hbm>> -> memref<21x1x1x8x128xf32, #tpu.memory_space<hbm>>
        tpu.wait_dma2 semaphore(%arg18 : memref<!tpu.dma_semaphore, #tpu.memory_space<semaphore_mem>>) src(%arg8 : memref<21x1x1x8x128xf32, #tpu.memory_space<vmem>>) dst(%dma_wait3A_398 : memref<21x1x1x8x128xf32, #tpu.memory_space<hbm>>)
      } else {
      }
      %scan3A_347 = arith.constant 0 : i32
      %scan3A_348 = arith.constant 0 : i32
      %scan3A_349 = arith.constant 64 : i32
      %scan3A_350 = arith.addi %scan3A_348, %scan3A_349 : i32
      %scan3A_351 = arith.constant 1 : i32
      scf.for %scan3A_390 = %scan3A_348 to %scan3A_350 step %scan3A_351  : i32 {
        %shift_right_logical3A = arith.constant 3 : i32
        %shift_right_logical3A_391 = arith.shrui %scan3A_390, %shift_right_logical3A : i32
        %and3A = arith.constant 7 : i32
        %and3A_392 = arith.andi %scan3A_390, %and3A : i32
        %mul3A_393 = arith.constant 16 : i32
        %mul3A_394 = arith.muli %and3A_392, %mul3A_393 : i32
        %add3A_395 = vector.broadcast %mul3A_394 : i32 to vector<16xi32>
        %add3A_396 = arith.addi %add3A_395, %iota3A : vector<16xi32>
        %get3A = arith.constant 0 : i32
        %get3A_397 = arith.constant 0 : i32
        %get3A_398 = arith.index_cast %get3A : i32 to index
        %get3A_399 = arith.index_cast %get3A_397 : i32 to index
        %get3A_400 = arith.index_cast %shift_right_logical3A_391 : i32 to index
        %get3A_401 = arith.index_cast %mul3A_394 : i32 to index
        %get3A_402 = tpu.vector_load %arg13[%get3A_398, %get3A_399, %get3A_400, %get3A_401] {strides = array<i32>} : memref<1x1x8x128xf32, #tpu.memory_space<vmem>>, vector<16xf32>,
        %max3A = arith.constant 0.000000e+00 : f32
        %max3A_403 = vector.broadcast %max3A : f32 to vector<16xf32>
        %max3A_404 = arith.maximumf %get3A_402, %max3A_403 : vector<16xf32>
        %min3A = arith.constant 2.000000e+01 : f32
        %min3A_405 = vector.broadcast %min3A : f32 to vector<16xf32>
        %min3A_406 = arith.minimumf %max3A_404, %min3A_405 : vector<16xf32>
        %convert_element_type3A_407 = arith.fptosi %min3A_406 : vector<16xf32> to vector<16xi32>
        %convert_element_type3A_408 = arith.sitofp %convert_element_type3A_407 : vector<16xi32> to vector<16xf32>
        %sub3A_409 = arith.subf %min3A_406, %convert_element_type3A_408 : vector<16xf32>
        %add3A_410 = arith.constant 1 : i32
        %add3A_411 = vector.broadcast %add3A_410 : i32 to vector<16xi32>
        %add3A_412 = arith.addi %convert_element_type3A_407, %add3A_411 : vector<16xi32>
        %min3A_413 = arith.constant 20 : i32
        %min3A_414 = vector.broadcast %min3A_413 : i32 to vector<16xi32>
        %min3A_415 = arith.minsi %add3A_412, %min3A_414 : vector<16xi32>
        %broadcast_in_dim3A_416 = vector.broadcast %shift_right_logical3A_391 : i32 to vector<16xi32>
        %swap3A = arith.constant 0 : i32
        %swap3A_417 = arith.constant 0 : i32
        %swap3A_418 = arith.constant 0 : i32
        %swap3A_419 = arith.index_cast %swap3A : i32 to index
        %swap3A_420 = arith.index_cast %swap3A_417 : i32 to index
        %swap3A_421 = arith.index_cast %swap3A_418 : i32 to index
        %swap3A_422 = arith.index_cast %shift_right_logical3A_391 : i32 to index
        %swap3A_423 = arith.index_cast %mul3A_394 : i32 to index
        %swap3A_424 = tpu.vector_load %arg8[%swap3A_419, %swap3A_420, %swap3A_421, %swap3A_422, %swap3A_423] {strides = array<i32>} : memref<21x1x1x8x128xf32, #tpu.memory_space<vmem>>, vector<16xf32>,
        tpu.vector_store %arg8[%swap3A_419, %swap3A_420, %swap3A_421, %swap3A_422, %swap3A_423], %broadcast_in_dim3A_3 {strides = array<i32>} : memref<21x1x1x8x128xf32, #tpu.memory_space<vmem>>, vector<16xf32>,
        %swap3A_425 = arith.constant 1 : i32
        %swap3A_426 = arith.constant 0 : i32
        %swap3A_427 = arith.constant 0 : i32
        %swap3A_428 = arith.index_cast %swap3A_425 : i32 to index
        %swap3A_429 = arith.index_cast %swap3A_426 : i32 to index
        %swap3A_430 = arith.index_cast %swap3A_427 : i32 to index
        %swap3A_431 = arith.index_cast %shift_right_logical3A_391 : i32 to index
        %swap3A_432 = arith.index_cast %mul3A_394 : i32 to index
        %swap3A_433 = tpu.vector_load %arg8[%swap3A_428, %swap3A_429, %swap3A_430, %swap3A_431, %swap3A_432] {strides = array<i32>} : memref<21x1x1x8x128xf32, #tpu.memory_space<vmem>>, vector<16xf32>,
        tpu.vector_store %arg8[%swap3A_428, %swap3A_429, %swap3A_430, %swap3A_431, %swap3A_432], %broadcast_in_dim3A_3 {strides = array<i32>} : memref<21x1x1x8x128xf32, #tpu.memory_space<vmem>>, vector<16xf32>,
        %swap3A_434 = arith.constant 2 : i32
        %swap3A_435 = arith.constant 0 : i32
        %swap3A_436 = arith.constant 0 : i32
        %swap3A_437 = arith.index_cast %swap3A_434 : i32 to index
        %swap3A_438 = arith.index_cast %swap3A_435 : i32 to index
        %swap3A_439 = arith.index_cast %swap3A_436 : i32 to index
        %swap3A_440 = arith.index_cast %shift_right_logical3A_391 : i32 to index
        %swap3A_441 = arith.index_cast %mul3A_394 : i32 to index
        %swap3A_442 = tpu.vector_load %arg8[%swap3A_437, %swap3A_438, %swap3A_439, %swap3A_440, %swap3A_441] {strides = array<i32>} : memref<21x1x1x8x128xf32, #tpu.memory_space<vmem>>, vector<16xf32>,
        tpu.vector_store %arg8[%swap3A_437, %swap3A_438, %swap3A_439, %swap3A_440, %swap3A_441], %broadcast_in_dim3A_3 {strides = array<i32>} : memref<21x1x1x8x128xf32, #tpu.memory_space<vmem>>, vector<16xf32>,
        %swap3A_443 = arith.constant 3 : i32
        %swap3A_444 = arith.constant 0 : i32
        %swap3A_445 = arith.constant 0 : i32
        %swap3A_446 = arith.index_cast %swap3A_443 : i32 to index
        %swap3A_447 = arith.index_cast %swap3A_444 : i32 to index
        %swap3A_448 = arith.index_cast %swap3A_445 : i32 to index
        %swap3A_449 = arith.index_cast %shift_right_logical3A_391 : i32 to index
        %swap3A_450 = arith.index_cast %mul3A_394 : i32 to index
        %swap3A_451 = tpu.vector_load %arg8[%swap3A_446, %swap3A_447, %swap3A_448, %swap3A_449, %swap3A_450] {strides = array<i32>} : memref<21x1x1x8x128xf32, #tpu.memory_space<vmem>>, vector<16xf32>,
        tpu.vector_store %arg8[%swap3A_446, %swap3A_447, %swap3A_448, %swap3A_449, %swap3A_450], %broadcast_in_dim3A_3 {strides = array<i32>} : memref<21x1x1x8x128xf32, #tpu.memory_space<vmem>>, vector<16xf32>,
        %swap3A_452 = arith.constant 4 : i32
        %swap3A_453 = arith.constant 0 : i32
        %swap3A_454 = arith.constant 0 : i32
        %swap3A_455 = arith.index_cast %swap3A_452 : i32 to index
        %swap3A_456 = arith.index_cast %swap3A_453 : i32 to index
        %swap3A_457 = arith.index_cast %swap3A_454 : i32 to index
        %swap3A_458 = arith.index_cast %shift_right_logical3A_391 : i32 to index
        %swap3A_459 = arith.index_cast %mul3A_394 : i32 to index
        %swap3A_460 = tpu.vector_load %arg8[%swap3A_455, %swap3A_456, %swap3A_457, %swap3A_458, %swap3A_459] {strides = array<i32>} : memref<21x1x1x8x128xf32, #tpu.memory_space<vmem>>, vector<16xf32>,
        tpu.vector_store %arg8[%swap3A_455, %swap3A_456, %swap3A_457, %swap3A_458, %swap3A_459], %broadcast_in_dim3A_3 {strides = array<i32>} : memref<21x1x1x8x128xf32, #tpu.memory_space<vmem>>, vector<16xf32>,
        %swap3A_461 = arith.constant 5 : i32
        %swap3A_462 = arith.constant 0 : i32
        %swap3A_463 = arith.constant 0 : i32
        %swap3A_464 = arith.index_cast %swap3A_461 : i32 to index
        %swap3A_465 = arith.index_cast %swap3A_462 : i32 to index
        %swap3A_466 = arith.index_cast %swap3A_463 : i32 to index
        %swap3A_467 = arith.index_cast %shift_right_logical3A_391 : i32 to index
        %swap3A_468 = arith.index_cast %mul3A_394 : i32 to index
        %swap3A_469 = tpu.vector_load %arg8[%swap3A_464, %swap3A_465, %swap3A_466, %swap3A_467, %swap3A_468] {strides = array<i32>} : memref<21x1x1x8x128xf32, #tpu.memory_space<vmem>>, vector<16xf32>,
        tpu.vector_store %arg8[%swap3A_464, %swap3A_465, %swap3A_466, %swap3A_467, %swap3A_468], %broadcast_in_dim3A_3 {strides = array<i32>} : memref<21x1x1x8x128xf32, #tpu.memory_space<vmem>>, vector<16xf32>,
        %swap3A_470 = arith.constant 6 : i32
        %swap3A_471 = arith.constant 0 : i32
        %swap3A_472 = arith.constant 0 : i32
        %swap3A_473 = arith.index_cast %swap3A_470 : i32 to index
        %swap3A_474 = arith.index_cast %swap3A_471 : i32 to index
        %swap3A_475 = arith.index_cast %swap3A_472 : i32 to index
        %swap3A_476 = arith.index_cast %shift_right_logical3A_391 : i32 to index
        %swap3A_477 = arith.index_cast %mul3A_394 : i32 to index
        %swap3A_478 = tpu.vector_load %arg8[%swap3A_473, %swap3A_474, %swap3A_475, %swap3A_476, %swap3A_477] {strides = array<i32>} : memref<21x1x1x8x128xf32, #tpu.memory_space<vmem>>, vector<16xf32>,
        tpu.vector_store %arg8[%swap3A_473, %swap3A_474, %swap3A_475, %swap3A_476, %swap3A_477], %broadcast_in_dim3A_3 {strides = array<i32>} : memref<21x1x1x8x128xf32, #tpu.memory_space<vmem>>, vector<16xf32>,
        %swap3A_479 = arith.constant 7 : i32
        %swap3A_480 = arith.constant 0 : i32
        %swap3A_481 = arith.constant 0 : i32
        %swap3A_482 = arith.index_cast %swap3A_479 : i32 to index
        %swap3A_483 = arith.index_cast %swap3A_480 : i32 to index
        %swap3A_484 = arith.index_cast %swap3A_481 : i32 to index
        %swap3A_485 = arith.index_cast %shift_right_logical3A_391 : i32 to index
        %swap3A_486 = arith.index_cast %mul3A_394 : i32 to index
        %swap3A_487 = tpu.vector_load %arg8[%swap3A_482, %swap3A_483, %swap3A_484, %swap3A_485, %swap3A_486] {strides = array<i32>} : memref<21x1x1x8x128xf32, #tpu.memory_space<vmem>>, vector<16xf32>,
        tpu.vector_store %arg8[%swap3A_482, %swap3A_483, %swap3A_484, %swap3A_485, %swap3A_486], %broadcast_in_dim3A_3 {strides = array<i32>} : memref<21x1x1x8x128xf32, #tpu.memory_space<vmem>>, vector<16xf32>,
        %swap3A_488 = arith.constant 8 : i32
        %swap3A_489 = arith.constant 0 : i32
        %swap3A_490 = arith.constant 0 : i32
        %swap3A_491 = arith.index_cast %swap3A_488 : i32 to index
        %swap3A_492 = arith.index_cast %swap3A_489 : i32 to index
        %swap3A_493 = arith.index_cast %swap3A_490 : i32 to index
        %swap3A_494 = arith.index_cast %shift_right_logical3A_391 : i32 to index
        %swap3A_495 = arith.index_cast %mul3A_394 : i32 to index
        %swap3A_496 = tpu.vector_load %arg8[%swap3A_491, %swap3A_492, %swap3A_493, %swap3A_494, %swap3A_495] {strides = array<i32>} : memref<21x1x1x8x128xf32, #tpu.memory_space<vmem>>, vector<16xf32>,
        tpu.vector_store %arg8[%swap3A_491, %swap3A_492, %swap3A_493, %swap3A_494, %swap3A_495], %broadcast_in_dim3A_3 {strides = array<i32>} : memref<21x1x1x8x128xf32, #tpu.memory_space<vmem>>, vector<16xf32>,
        %swap3A_497 = arith.constant 9 : i32
        %swap3A_498 = arith.constant 0 : i32
        %swap3A_499 = arith.constant 0 : i32
        %swap3A_500 = arith.index_cast %swap3A_497 : i32 to index
        %swap3A_501 = arith.index_cast %swap3A_498 : i32 to index
        %swap3A_502 = arith.index_cast %swap3A_499 : i32 to index
        %swap3A_503 = arith.index_cast %shift_right_logical3A_391 : i32 to index
        %swap3A_504 = arith.index_cast %mul3A_394 : i32 to index
        %swap3A_505 = tpu.vector_load %arg8[%swap3A_500, %swap3A_501, %swap3A_502, %swap3A_503, %swap3A_504] {strides = array<i32>} : memref<21x1x1x8x128xf32, #tpu.memory_space<vmem>>, vector<16xf32>,
        tpu.vector_store %arg8[%swap3A_500, %swap3A_501, %swap3A_502, %swap3A_503, %swap3A_504], %broadcast_in_dim3A_3 {strides = array<i32>} : memref<21x1x1x8x128xf32, #tpu.memory_space<vmem>>, vector<16xf32>,
        %swap3A_506 = arith.constant 10 : i32
        %swap3A_507 = arith.constant 0 : i32
        %swap3A_508 = arith.constant 0 : i32
        %swap3A_509 = arith.index_cast %swap3A_506 : i32 to index
        %swap3A_510 = arith.index_cast %swap3A_507 : i32 to index
        %swap3A_511 = arith.index_cast %swap3A_508 : i32 to index
        %swap3A_512 = arith.index_cast %shift_right_logical3A_391 : i32 to index
        %swap3A_513 = arith.index_cast %mul3A_394 : i32 to index
        %swap3A_514 = tpu.vector_load %arg8[%swap3A_509, %swap3A_510, %swap3A_511, %swap3A_512, %swap3A_513] {strides = array<i32>} : memref<21x1x1x8x128xf32, #tpu.memory_space<vmem>>, vector<16xf32>,
        tpu.vector_store %arg8[%swap3A_509, %swap3A_510, %swap3A_511, %swap3A_512, %swap3A_513], %broadcast_in_dim3A_3 {strides = array<i32>} : memref<21x1x1x8x128xf32, #tpu.memory_space<vmem>>, vector<16xf32>,
        %swap3A_515 = arith.constant 11 : i32
        %swap3A_516 = arith.constant 0 : i32
        %swap3A_517 = arith.constant 0 : i32
        %swap3A_518 = arith.index_cast %swap3A_515 : i32 to index
        %swap3A_519 = arith.index_cast %swap3A_516 : i32 to index
        %swap3A_520 = arith.index_cast %swap3A_517 : i32 to index
        %swap3A_521 = arith.index_cast %shift_right_logical3A_391 : i32 to index
        %swap3A_522 = arith.index_cast %mul3A_394 : i32 to index
        %swap3A_523 = tpu.vector_load %arg8[%swap3A_518, %swap3A_519, %swap3A_520, %swap3A_521, %swap3A_522] {strides = array<i32>} : memref<21x1x1x8x128xf32, #tpu.memory_space<vmem>>, vector<16xf32>,
        tpu.vector_store %arg8[%swap3A_518, %swap3A_519, %swap3A_520, %swap3A_521, %swap3A_522], %broadcast_in_dim3A_3 {strides = array<i32>} : memref<21x1x1x8x128xf32, #tpu.memory_space<vmem>>, vector<16xf32>,
        %swap3A_524 = arith.constant 12 : i32
        %swap3A_525 = arith.constant 0 : i32
        %swap3A_526 = arith.constant 0 : i32
        %swap3A_527 = arith.index_cast %swap3A_524 : i32 to index
        %swap3A_528 = arith.index_cast %swap3A_525 : i32 to index
        %swap3A_529 = arith.index_cast %swap3A_526 : i32 to index
        %swap3A_530 = arith.index_cast %shift_right_logical3A_391 : i32 to index
        %swap3A_531 = arith.index_cast %mul3A_394 : i32 to index
        %swap3A_532 = tpu.vector_load %arg8[%swap3A_527, %swap3A_528, %swap3A_529, %swap3A_530, %swap3A_531] {strides = array<i32>} : memref<21x1x1x8x128xf32, #tpu.memory_space<vmem>>, vector<16xf32>,
        tpu.vector_store %arg8[%swap3A_527, %swap3A_528, %swap3A_529, %swap3A_530, %swap3A_531], %broadcast_in_dim3A_3 {strides = array<i32>} : memref<21x1x1x8x128xf32, #tpu.memory_space<vmem>>, vector<16xf32>,
        %swap3A_533 = arith.constant 13 : i32
        %swap3A_534 = arith.constant 0 : i32
        %swap3A_535 = arith.constant 0 : i32
        %swap3A_536 = arith.index_cast %swap3A_533 : i32 to index
        %swap3A_537 = arith.index_cast %swap3A_534 : i32 to index
        %swap3A_538 = arith.index_cast %swap3A_535 : i32 to index
        %swap3A_539 = arith.index_cast %shift_right_logical3A_391 : i32 to index
        %swap3A_540 = arith.index_cast %mul3A_394 : i32 to index
        %swap3A_541 = tpu.vector_load %arg8[%swap3A_536, %swap3A_537, %swap3A_538, %swap3A_539, %swap3A_540] {strides = array<i32>} : memref<21x1x1x8x128xf32, #tpu.memory_space<vmem>>, vector<16xf32>,
        tpu.vector_store %arg8[%swap3A_536, %swap3A_537, %swap3A_538, %swap3A_539, %swap3A_540], %broadcast_in_dim3A_3 {strides = array<i32>} : memref<21x1x1x8x128xf32, #tpu.memory_space<vmem>>, vector<16xf32>,
        %swap3A_542 = arith.constant 14 : i32
        %swap3A_543 = arith.constant 0 : i32
        %swap3A_544 = arith.constant 0 : i32
        %swap3A_545 = arith.index_cast %swap3A_542 : i32 to index
        %swap3A_546 = arith.index_cast %swap3A_543 : i32 to index
        %swap3A_547 = arith.index_cast %swap3A_544 : i32 to index
        %swap3A_548 = arith.index_cast %shift_right_logical3A_391 : i32 to index
        %swap3A_549 = arith.index_cast %mul3A_394 : i32 to index
        %swap3A_550 = tpu.vector_load %arg8[%swap3A_545, %swap3A_546, %swap3A_547, %swap3A_548, %swap3A_549] {strides = array<i32>} : memref<21x1x1x8x128xf32, #tpu.memory_space<vmem>>, vector<16xf32>,
        tpu.vector_store %arg8[%swap3A_545, %swap3A_546, %swap3A_547, %swap3A_548, %swap3A_549], %broadcast_in_dim3A_3 {strides = array<i32>} : memref<21x1x1x8x128xf32, #tpu.memory_space<vmem>>, vector<16xf32>,
        %swap3A_551 = arith.constant 15 : i32
        %swap3A_552 = arith.constant 0 : i32
        %swap3A_553 = arith.constant 0 : i32
        %swap3A_554 = arith.index_cast %swap3A_551 : i32 to index
        %swap3A_555 = arith.index_cast %swap3A_552 : i32 to index
        %swap3A_556 = arith.index_cast %swap3A_553 : i32 to index
        %swap3A_557 = arith.index_cast %shift_right_logical3A_391 : i32 to index
        %swap3A_558 = arith.index_cast %mul3A_394 : i32 to index
        %swap3A_559 = tpu.vector_load %arg8[%swap3A_554, %swap3A_555, %swap3A_556, %swap3A_557, %swap3A_558] {strides = array<i32>} : memref<21x1x1x8x128xf32, #tpu.memory_space<vmem>>, vector<16xf32>,
        tpu.vector_store %arg8[%swap3A_554, %swap3A_555, %swap3A_556, %swap3A_557, %swap3A_558], %broadcast_in_dim3A_3 {strides = array<i32>} : memref<21x1x1x8x128xf32, #tpu.memory_space<vmem>>, vector<16xf32>,
        %swap3A_560 = arith.constant 16 : i32
        %swap3A_561 = arith.constant 0 : i32
        %swap3A_562 = arith.constant 0 : i32
        %swap3A_563 = arith.index_cast %swap3A_560 : i32 to index
        %swap3A_564 = arith.index_cast %swap3A_561 : i32 to index
        %swap3A_565 = arith.index_cast %swap3A_562 : i32 to index
        %swap3A_566 = arith.index_cast %shift_right_logical3A_391 : i32 to index
        %swap3A_567 = arith.index_cast %mul3A_394 : i32 to index
        %swap3A_568 = tpu.vector_load %arg8[%swap3A_563, %swap3A_564, %swap3A_565, %swap3A_566, %swap3A_567] {strides = array<i32>} : memref<21x1x1x8x128xf32, #tpu.memory_space<vmem>>, vector<16xf32>,
        tpu.vector_store %arg8[%swap3A_563, %swap3A_564, %swap3A_565, %swap3A_566, %swap3A_567], %broadcast_in_dim3A_3 {strides = array<i32>} : memref<21x1x1x8x128xf32, #tpu.memory_space<vmem>>, vector<16xf32>,
        %swap3A_569 = arith.constant 17 : i32
        %swap3A_570 = arith.constant 0 : i32
        %swap3A_571 = arith.constant 0 : i32
        %swap3A_572 = arith.index_cast %swap3A_569 : i32 to index
        %swap3A_573 = arith.index_cast %swap3A_570 : i32 to index
        %swap3A_574 = arith.index_cast %swap3A_571 : i32 to index
        %swap3A_575 = arith.index_cast %shift_right_logical3A_391 : i32 to index
        %swap3A_576 = arith.index_cast %mul3A_394 : i32 to index
        %swap3A_577 = tpu.vector_load %arg8[%swap3A_572, %swap3A_573, %swap3A_574, %swap3A_575, %swap3A_576] {strides = array<i32>} : memref<21x1x1x8x128xf32, #tpu.memory_space<vmem>>, vector<16xf32>,
        tpu.vector_store %arg8[%swap3A_572, %swap3A_573, %swap3A_574, %swap3A_575, %swap3A_576], %broadcast_in_dim3A_3 {strides = array<i32>} : memref<21x1x1x8x128xf32, #tpu.memory_space<vmem>>, vector<16xf32>,
        %swap3A_578 = arith.constant 18 : i32
        %swap3A_579 = arith.constant 0 : i32
        %swap3A_580 = arith.constant 0 : i32
        %swap3A_581 = arith.index_cast %swap3A_578 : i32 to index
        %swap3A_582 = arith.index_cast %swap3A_579 : i32 to index
        %swap3A_583 = arith.index_cast %swap3A_580 : i32 to index
        %swap3A_584 = arith.index_cast %shift_right_logical3A_391 : i32 to index
        %swap3A_585 = arith.index_cast %mul3A_394 : i32 to index
        %swap3A_586 = tpu.vector_load %arg8[%swap3A_581, %swap3A_582, %swap3A_583, %swap3A_584, %swap3A_585] {strides = array<i32>} : memref<21x1x1x8x128xf32, #tpu.memory_space<vmem>>, vector<16xf32>,
        tpu.vector_store %arg8[%swap3A_581, %swap3A_582, %swap3A_583, %swap3A_584, %swap3A_585], %broadcast_in_dim3A_3 {strides = array<i32>} : memref<21x1x1x8x128xf32, #tpu.memory_space<vmem>>, vector<16xf32>,
        %swap3A_587 = arith.constant 19 : i32
        %swap3A_588 = arith.constant 0 : i32
        %swap3A_589 = arith.constant 0 : i32
        %swap3A_590 = arith.index_cast %swap3A_587 : i32 to index
        %swap3A_591 = arith.index_cast %swap3A_588 : i32 to index
        %swap3A_592 = arith.index_cast %swap3A_589 : i32 to index
        %swap3A_593 = arith.index_cast %shift_right_logical3A_391 : i32 to index
        %swap3A_594 = arith.index_cast %mul3A_394 : i32 to index
        %swap3A_595 = tpu.vector_load %arg8[%swap3A_590, %swap3A_591, %swap3A_592, %swap3A_593, %swap3A_594] {strides = array<i32>} : memref<21x1x1x8x128xf32, #tpu.memory_space<vmem>>, vector<16xf32>,
        tpu.vector_store %arg8[%swap3A_590, %swap3A_591, %swap3A_592, %swap3A_593, %swap3A_594], %broadcast_in_dim3A_3 {strides = array<i32>} : memref<21x1x1x8x128xf32, #tpu.memory_space<vmem>>, vector<16xf32>,
        %swap3A_596 = arith.constant 20 : i32
        %swap3A_597 = arith.constant 0 : i32
        %swap3A_598 = arith.constant 0 : i32
        %swap3A_599 = arith.index_cast %swap3A_596 : i32 to index
        %swap3A_600 = arith.index_cast %swap3A_597 : i32 to index
        %swap3A_601 = arith.index_cast %swap3A_598 : i32 to index
        %swap3A_602 = arith.index_cast %shift_right_logical3A_391 : i32 to index
        %swap3A_603 = arith.index_cast %mul3A_394 : i32 to index
        %swap3A_604 = tpu.vector_load %arg8[%swap3A_599, %swap3A_600, %swap3A_601, %swap3A_602, %swap3A_603] {strides = array<i32>} : memref<21x1x1x8x128xf32, #tpu.memory_space<vmem>>, vector<16xf32>,
        tpu.vector_store %arg8[%swap3A_599, %swap3A_600, %swap3A_601, %swap3A_602, %swap3A_603], %broadcast_in_dim3A_3 {strides = array<i32>} : memref<21x1x1x8x128xf32, #tpu.memory_space<vmem>>, vector<16xf32>,
        tpu.vector_store_idx %arg8[%min3A_415, %broadcast_in_dim3A_5, %broadcast_in_dim3A_5, %broadcast_in_dim3A_416, %add3A_396], %sub3A_409 : memref<21x1x1x8x128xf32, #tpu.memory_space<vmem>>[vector<16xi32>, vector<16xi32>, vector<16xi32>, vector<16xi32>, vector<16xi32>], vector<16xf32>,
        %sub3A_605 = arith.constant 1.000000e+00 : f32
        %sub3A_606 = vector.broadcast %sub3A_605 : f32 to vector<16xf32>
        %sub3A_607 = arith.subf %sub3A_606, %sub3A_409 : vector<16xf32>
        tpu.vector_store_idx %arg8[%convert_element_type3A_407, %broadcast_in_dim3A_5, %broadcast_in_dim3A_5, %broadcast_in_dim3A_416, %add3A_396], %sub3A_607 : memref<21x1x1x8x128xf32, #tpu.memory_space<vmem>>[vector<16xi32>, vector<16xi32>, vector<16xi32>, vector<16xi32>, vector<16xi32>], vector<16xf32>,
      }
      %scan3A_352 = arith.constant 64 : i32
      %add3A_353 = arith.addi %mul3A_2, %select_n3A_330 : i32
      %dma_start3A_354 = arith.constant 0 : i32
      %dma_start3A_355 = arith.constant 0 : i32
      %dma_start3A_356 = arith.constant 0 : i32
      %dma_start3A_357 = tpu.memref_slice %arg3[%dma_start3A_354, %select_n3A_334, %add3A_353, %dma_start3A_355, %dma_start3A_356] : memref<21x25x128x8x128xf32, #tpu.memory_space<hbm>> -> memref<21x1x1x8x128xf32, #tpu.memory_space<hbm>>
      %dma_start3A_358 = arith.constant 0 : i32
      %dma_start3A_359 = arith.constant 0 : i32
      %dma_start3A_360 = arith.constant 0 : i32
      %dma_start3A_361 = tpu.memref_slice %arg3[%dma_start3A_358, %select_n3A_334, %add3A_353, %dma_start3A_359, %dma_start3A_360] : memref<21x25x128x8x128xf32, #tpu.memory_space<hbm>> -> memref<21x1x1x8x128xf32, #tpu.memory_space<hbm>>
      tpu.enqueue_dma source(%arg8 : memref<21x1x1x8x128xf32, #tpu.memory_space<vmem>>) target(%dma_start3A_361 : memref<21x1x1x8x128xf32, #tpu.memory_space<hbm>>) target_semaphore(%arg18 : memref<!tpu.dma_semaphore, #tpu.memory_space<semaphore_mem>>)
      %add3A_362 = arith.constant 5 : i32
      %add3A_363 = arith.addi %select_n3A_334, %add3A_362 : i32
      %ge3A_364 = arith.constant 25 : i32
      %ge3A_365 = arith.cmpi sge, %add3A_363, %ge3A_364 : i32
      %add3A_366 = arith.constant 1 : i32
      %add3A_367 = arith.addi %select_n3A_330, %add3A_366 : i32
      %select_n3A_368 = arith.select %ge3A_365, %add3A_367, %select_n3A_330 : i32
      %add3A_369 = arith.constant 5 : i32
      %add3A_370 = arith.addi %select_n3A_334, %add3A_369 : i32
      %sub3A_371 = arith.constant 25 : i32
      %sub3A_372 = arith.subi %add3A_370, %sub3A_371 : i32
      %add3A_373 = arith.constant 5 : i32
      %add3A_374 = arith.addi %select_n3A_334, %add3A_373 : i32
      %select_n3A_375 = arith.select %ge3A_365, %sub3A_372, %add3A_374 : i32
      %lt3A_376 = arith.constant 4 : i32
      %lt3A_377 = arith.cmpi slt, %select_n3A_368, %lt3A_376 : i32
      %convert_element_type3A_378 = arith.extui %lt3A_377 : i1 to i32
      %cond3A_379 = arith.constant 0 : i32
      %cond3A_380 = arith.cmpi ne, %convert_element_type3A_378, %cond3A_379 : i32
      scf.if %cond3A_380 {
        %add3A_390 = arith.addi %mul3A_2, %select_n3A_368 : i32
        %dma_start3A_391 = arith.constant 0 : i32
        %dma_start3A_392 = arith.constant 0 : i32
        %dma_start3A_393 = tpu.memref_slice %arg2[%select_n3A_375, %add3A_390, %dma_start3A_391, %dma_start3A_392] : memref<25x128x8x128xf32, #tpu.memory_space<hbm>> -> memref<1x1x8x128xf32, #tpu.memory_space<hbm>>
        %dma_start3A_394 = arith.constant 0 : i32
        %dma_start3A_395 = arith.constant 0 : i32
        %dma_start3A_396 = tpu.memref_slice %arg2[%select_n3A_375, %add3A_390, %dma_start3A_394, %dma_start3A_395] : memref<25x128x8x128xf32, #tpu.memory_space<hbm>> -> memref<1x1x8x128xf32, #tpu.memory_space<hbm>>
        tpu.enqueue_dma source(%dma_start3A_396 : memref<1x1x8x128xf32, #tpu.memory_space<hbm>>) target(%arg13 : memref<1x1x8x128xf32, #tpu.memory_space<vmem>>) target_semaphore(%arg23 : memref<!tpu.dma_semaphore, #tpu.memory_space<semaphore_mem>>)
      } else {
      }
      %eq3A_381 = arith.constant 24 : i32
      %eq3A_382 = arith.cmpi eq, %select_n3A_334, %eq3A_381 : i32
      %add3A_383 = arith.constant 1 : i32
      %add3A_384 = arith.addi %select_n3A_330, %add3A_383 : i32
      %select_n3A_385 = arith.select %eq3A_382, %add3A_384, %select_n3A_330 : i32
      %add3A_386 = arith.constant 1 : i32
      %add3A_387 = arith.addi %select_n3A_334, %add3A_386 : i32
      %jit3A_388 = arith.constant 0 : i32
      %select_n3A_389 = arith.select %eq3A_382, %jit3A_388, %add3A_387 : i32
      scf.yield %select_n3A_385, %select_n3A_389 : i32, i32
    }
    %scan3A_61 = arith.constant 20 : i32
    %dma_wait3A = arith.constant 0 : i32
    %dma_wait3A_62 = arith.constant 0 : i32
    %dma_wait3A_63 = arith.constant 0 : i32
    %dma_wait3A_64 = arith.constant 0 : i32
    %dma_wait3A_65 = arith.constant 0 : i32
    %dma_wait3A_66 = tpu.memref_slice %arg3[%dma_wait3A, %dma_wait3A_62, %dma_wait3A_63, %dma_wait3A_64, %dma_wait3A_65] : memref<21x25x128x8x128xf32, #tpu.memory_space<hbm>> -> memref<21x1x1x8x128xf32, #tpu.memory_space<hbm>>
    %dma_wait3A_67 = arith.constant 0 : i32
    %dma_wait3A_68 = arith.constant 0 : i32
    %dma_wait3A_69 = arith.constant 0 : i32
    %dma_wait3A_70 = arith.constant 0 : i32
    %dma_wait3A_71 = arith.constant 0 : i32
    %dma_wait3A_72 = tpu.memref_slice %arg3[%dma_wait3A_67, %dma_wait3A_68, %dma_wait3A_69, %dma_wait3A_70, %dma_wait3A_71] : memref<21x25x128x8x128xf32, #tpu.memory_space<hbm>> -> memref<21x1x1x8x128xf32, #tpu.memory_space<hbm>>
    tpu.wait_dma2 semaphore(%arg14 : memref<!tpu.dma_semaphore, #tpu.memory_space<semaphore_mem>>) src(%arg4 : memref<21x1x1x8x128xf32, #tpu.memory_space<vmem>>) dst(%dma_wait3A_72 : memref<21x1x1x8x128xf32, #tpu.memory_space<hbm>>)
    %dma_wait3A_73 = arith.constant 0 : i32
    %dma_wait3A_74 = arith.constant 0 : i32
    %dma_wait3A_75 = arith.constant 0 : i32
    %dma_wait3A_76 = arith.constant 0 : i32
    %dma_wait3A_77 = arith.constant 0 : i32
    %dma_wait3A_78 = tpu.memref_slice %arg3[%dma_wait3A_73, %dma_wait3A_74, %dma_wait3A_75, %dma_wait3A_76, %dma_wait3A_77] : memref<21x25x128x8x128xf32, #tpu.memory_space<hbm>> -> memref<21x1x1x8x128xf32, #tpu.memory_space<hbm>>
    %dma_wait3A_79 = arith.constant 0 : i32
    %dma_wait3A_80 = arith.constant 0 : i32
    %dma_wait3A_81 = arith.constant 0 : i32
    %dma_wait3A_82 = arith.constant 0 : i32
    %dma_wait3A_83 = arith.constant 0 : i32
    %dma_wait3A_84 = tpu.memref_slice %arg3[%dma_wait3A_79, %dma_wait3A_80, %dma_wait3A_81, %dma_wait3A_82, %dma_wait3A_83] : memref<21x25x128x8x128xf32, #tpu.memory_space<hbm>> -> memref<21x1x1x8x128xf32, #tpu.memory_space<hbm>>
    tpu.wait_dma2 semaphore(%arg15 : memref<!tpu.dma_semaphore, #tpu.memory_space<semaphore_mem>>) src(%arg5 : memref<21x1x1x8x128xf32, #tpu.memory_space<vmem>>) dst(%dma_wait3A_84 : memref<21x1x1x8x128xf32, #tpu.memory_space<hbm>>)
    %dma_wait3A_85 = arith.constant 0 : i32
    %dma_wait3A_86 = arith.constant 0 : i32
    %dma_wait3A_87 = arith.constant 0 : i32
    %dma_wait3A_88 = arith.constant 0 : i32
    %dma_wait3A_89 = arith.constant 0 : i32
    %dma_wait3A_90 = tpu.memref_slice %arg3[%dma_wait3A_85, %dma_wait3A_86, %dma_wait3A_87, %dma_wait3A_88, %dma_wait3A_89] : memref<21x25x128x8x128xf32, #tpu.memory_space<hbm>> -> memref<21x1x1x8x128xf32, #tpu.memory_space<hbm>>
    %dma_wait3A_91 = arith.constant 0 : i32
    %dma_wait3A_92 = arith.constant 0 : i32
    %dma_wait3A_93 = arith.constant 0 : i32
    %dma_wait3A_94 = arith.constant 0 : i32
    %dma_wait3A_95 = arith.constant 0 : i32
    %dma_wait3A_96 = tpu.memref_slice %arg3[%dma_wait3A_91, %dma_wait3A_92, %dma_wait3A_93, %dma_wait3A_94, %dma_wait3A_95] : memref<21x25x128x8x128xf32, #tpu.memory_space<hbm>> -> memref<21x1x1x8x128xf32, #tpu.memory_space<hbm>>
    tpu.wait_dma2 semaphore(%arg16 : memref<!tpu.dma_semaphore, #tpu.memory_space<semaphore_mem>>) src(%arg6 : memref<21x1x1x8x128xf32, #tpu.memory_space<vmem>>) dst(%dma_wait3A_96 : memref<21x1x1x8x128xf32, #tpu.memory_space<hbm>>)
    %dma_wait3A_97 = arith.constant 0 : i32
    %dma_wait3A_98 = arith.constant 0 : i32
    %dma_wait3A_99 = arith.constant 0 : i32
    %dma_wait3A_100 = arith.constant 0 : i32
    %dma_wait3A_101 = arith.constant 0 : i32
    %dma_wait3A_102 = tpu.memref_slice %arg3[%dma_wait3A_97, %dma_wait3A_98, %dma_wait3A_99, %dma_wait3A_100, %dma_wait3A_101] : memref<21x25x128x8x128xf32, #tpu.memory_space<hbm>> -> memref<21x1x1x8x128xf32, #tpu.memory_space<hbm>>
    %dma_wait3A_103 = arith.constant 0 : i32
    %dma_wait3A_104 = arith.constant 0 : i32
    %dma_wait3A_105 = arith.constant 0 : i32
    %dma_wait3A_106 = arith.constant 0 : i32
    %dma_wait3A_107 = arith.constant 0 : i32
    %dma_wait3A_108 = tpu.memref_slice %arg3[%dma_wait3A_103, %dma_wait3A_104, %dma_wait3A_105, %dma_wait3A_106, %dma_wait3A_107] : memref<21x25x128x8x128xf32, #tpu.memory_space<hbm>> -> memref<21x1x1x8x128xf32, #tpu.memory_space<hbm>>
    tpu.wait_dma2 semaphore(%arg17 : memref<!tpu.dma_semaphore, #tpu.memory_space<semaphore_mem>>) src(%arg7 : memref<21x1x1x8x128xf32, #tpu.memory_space<vmem>>) dst(%dma_wait3A_108 : memref<21x1x1x8x128xf32, #tpu.memory_space<hbm>>)
    %dma_wait3A_109 = arith.constant 0 : i32
    %dma_wait3A_110 = arith.constant 0 : i32
    %dma_wait3A_111 = arith.constant 0 : i32
    %dma_wait3A_112 = arith.constant 0 : i32
    %dma_wait3A_113 = arith.constant 0 : i32
    %dma_wait3A_114 = tpu.memref_slice %arg3[%dma_wait3A_109, %dma_wait3A_110, %dma_wait3A_111, %dma_wait3A_112, %dma_wait3A_113] : memref<21x25x128x8x128xf32, #tpu.memory_space<hbm>> -> memref<21x1x1x8x128xf32, #tpu.memory_space<hbm>>
    %dma_wait3A_115 = arith.constant 0 : i32
    %dma_wait3A_116 = arith.constant 0 : i32
    %dma_wait3A_117 = arith.constant 0 : i32
    %dma_wait3A_118 = arith.constant 0 : i32
    %dma_wait3A_119 = arith.constant 0 : i32
    %dma_wait3A_120 = tpu.memref_slice %arg3[%dma_wait3A_115, %dma_wait3A_116, %dma_wait3A_117, %dma_wait3A_118, %dma_wait3A_119] : memref<21x25x128x8x128xf32, #tpu.memory_space<hbm>> -> memref<21x1x1x8x128xf32, #tpu.memory_space<hbm>>
    tpu.wait_dma2 semaphore(%arg18 : memref<!tpu.dma_semaphore, #tpu.memory_space<semaphore_mem>>) src(%arg8 : memref<21x1x1x8x128xf32, #tpu.memory_space<vmem>>) dst(%dma_wait3A_120 : memref<21x1x1x8x128xf32, #tpu.memory_space<hbm>>)
    return
  }
}

</mosaic_0001>

<sc_bundles>
// kernel: kernel.3.cloned.1.call-start
scs
__scs_entry_jumppad:
0x0: {  	(pc) =	sbr.rel $0x88, $3  }
0x1: {  	(tag) =	ssettag $0x0;
	lr =	simm.s32 $0x1  }
0x2: {  	[smem:$0x3FA0] =	sst lr;
	_ =	strace $0xD0000000  }
0x3: {  	_ = 	snop  }
0x4: {  	_ = 	snop  }
0x5: {  	_ = 	snop  }
0x6: {  	_ = 	snop  }
0x7: {  	_ = 	snop  }
__scs_overlays_trampoline_lowered:
0x8: {  	[smem:$0x3FAF] =	sst s0  }
0x9: {  	[smem:$0x3FB0] =	sst s1  }
0xa: {  	[smem:$0x3FB1] =	sst s2  }
0xb: {  	[smem:$0x3FB2] =	sst s3  }
0xc: {  	[smem:$0x3FB3] =	sst s4  }
0xd: {  	[smem:$0x3FB4] =	sst s5  }
0xe: {  	[smem:$0x3FB5] =	sst s6  }
0xf: {  	[smem:$0x3FB6] =	sst s7  }
0x10: {  	[smem:$0x3FB7] =	sst s8  }
0x11: {  	[smem:$0x3FB8] =	sst s9;
	s0 =	simm.s32 @!p0 $0x0  }
0x12: {  	s1 =	sld [smem:$0x3F9E];
	s0 =	simm.s32 @p0 $0x1  }
0x13: {  	[smem:$0x3FB9] =	sst s0;
	s0 =	simm.s32 @!p1 $0x0  }
0x14: {  	s2 =	sld [smem:$0x3F9D];
	s0 =	simm.s32 @p1 $0x1  }
0x15: {  	[smem:$0x3FBA] =	sst s0;
	s0 =	simm.s32 @!p2 $0x0  }
0x16: {  	s3 =	sld [smem:$0x3FDB];
	s0 =	simm.s32 @p2 $0x1  }
0x17: {  	s4 =	simm.s32 $0x1BF5;
	[smem:$0x3FBC] =	sst s0  }
0x18: {  	s0 =	sld [smem:$0x3F9F];
	_ =	swait.ge [sflag:s4], $0x0  }
0x19: {  	s7 =	sld [smem:$0x3FA0]  }
0x1a: {  	s8 =	sadd.s32 $0xFFFFE003, lr  }
0x1b: {  	s9 =	sadd.s32 $0xFFFFFEF7, lr;
	s5 =	simm.s32 $0xFFFFFFFF;
	p2 =	slt.u32 s8, $0xFFFFF086  }
0x1c: {  	p1 =	slt.u32 s9, $0xF7A;
	s5 =	simm.s32 @!p2 $0x0  }
0x1d: {  	s5 =	simm.s32 @p1 $0x1;
	p0 =	seq.s32 s7, s2  }
0x1e: {  	s7 =	smul.u32 @!p0 $0xF7A, s2;
	p2 =	seq.s32 @!p0 s5, $0x0  }
0x1f: {  	s9 =	smul.u32 $0xF7A, s1;
	s8 =	simm.s32 @!p0 $0x1BF5;
	p2 =	por !p2, p0  }
0x20: {  	[sflag:s8] =	ssyncset.s32 @!p0 $0xFFFFF086;
	s6 =	sadd.s32 @!p0 s3, s7;
	s7 =	simm.s32 @!p0 $0x108  }
0x21: {  	s3 =	sadd.s32 s3, s9;
	s6 =	sadd.s32 @!p0 $0x88, s6;
	s7 =	simm.s32 @p2 $0x1082  }
0x22: {  	[simem:s7], [sflag:s8] =	dma.local @!p0 [hbm:s6], $0xF7A  }
0x23: {  	s9 =	sor.u32 $0xD0000000, s2;
	s6 =	simm.s32 $0x108;
	_ =	swait.ge @!p0 [sflag:s8], $0x0  }
0x24: {  	s3 =	sadd.s32 $0x88, s3;
	s6 =	simm.s32 @!p1 $0x1082;
	[sflag:s4] =	ssyncset.s32 $0xFFFFF086  }
0x25: {  	[simem:s6], [sflag:s4] =	dma.local [hbm:s3], $0xF7A  }
0x26: {  	[smem:$0x3FA0] =	sst s1;
	(tag) =	ssettag s2;
	_ =	strace s9  }
0x27: {  	s1 =	sld [smem:$0x3FB0]  }
0x28: {  	s2 =	sld [smem:$0x3FB1]  }
0x29: {  	s4 =	sld [smem:$0x3FB3]  }
0x2a: {  	p0 =	seq.s32 s5, $0x0;
	s5 =	sld [smem:$0x3FB4]  }
0x2b: {  	s6 =	sld [smem:$0x3FB5]  }
0x2c: {  	s7 =	sld [smem:$0x3FB6]  }
0x2d: {  	s3 =	simm.s32 $0x108;
	s8 =	sld [smem:$0x3FB7]  }
0x2e: {  	s3 =	simm.s32 @!p0 $0x1082;
	s9 =	sld [smem:$0x3FB8]  }
0x2f: {  	lr =	sadd.s32 s0, s3;
	s0 =	sld [smem:$0x3FAF]  }
0x30: {  	s3 =	sld [smem:$0x3FB2]  }
0x31: {  	[smem:$0x3FBB] =	sst s10  }
0x32: {  	s10 =	sld [smem:$0x3FB9];
	_ =	sdelay $0x3  }
0x33: {  	p0 =	seq.s32 s10, $0x1;
	s10 =	sld [smem:$0x3FBB];
	_ =	sdelay $0x3  }
0x34: {  	[smem:$0x3FBB] =	sst s10  }
0x35: {  	s10 =	sld [smem:$0x3FBA];
	_ =	sdelay $0x3  }
0x36: {  	p1 =	seq.s32 s10, $0x1;
	s10 =	sld [smem:$0x3FBB];
	_ =	sdelay $0x3  }
0x37: {  	[smem:$0x3FBB] =	sst s10  }
0x38: {  	s10 =	sld [smem:$0x3FBC]  }
0x39: {  	_ = 	snop;
	(pc) =	sbr.ind lr, $3  }
0x3a: {  	_ = 	snop  }
0x3b: {  	_ = 	snop  }
0x3c: {  	p2 =	seq.s32 s10, $0x1;
	s10 =	sld [smem:$0x3FBB]  }
0x3d: {  	_ =	shalt  }
0x3e: {  	_ =	shalt  }
0x3f: {  	_ =	shalt  }
0x40: {  	_ =	shalt  }
0x41: {  	_ =	shalt  }
0x42: {  	_ =	shalt  }
0x43: {  	_ =	shalt  }
0x44: {  	_ =	shalt  }
0x45: {  	_ =	shalt  }
0x46: {  	_ =	shalt  }
0x47: {  	_ =	shalt  }
0x48: {  	_ =	shalt  }
0x49: {  	_ =	shalt  }
0x4a: {  	_ =	shalt  }
0x4b: {  	_ =	shalt  }
0x4c: {  	_ =	shalt  }
0x4d: {  	_ =	shalt  }
0x4e: {  	_ =	shalt  }
0x4f: {  	_ =	shalt  }
0x50: {  	_ =	shalt  }
0x51: {  	_ =	shalt  }
0x52: {  	_ =	shalt  }
0x53: {  	_ =	shalt  }
0x54: {  	_ =	shalt  }
0x55: {  	_ =	shalt  }
0x56: {  	_ =	shalt  }
0x57: {  	_ =	shalt  }
0x58: {  	_ =	shalt  }
0x59: {  	_ =	shalt  }
0x5a: {  	_ =	shalt  }
0x5b: {  	_ =	shalt  }
0x5c: {  	_ =	shalt  }
0x5d: {  	_ =	shalt  }
0x5e: {  	_ =	shalt  }
0x5f: {  	_ =	shalt  }
0x60: {  	_ =	shalt  }
0x61: {  	_ =	shalt  }
0x62: {  	_ =	shalt  }
0x63: {  	_ =	shalt  }
0x64: {  	_ =	shalt  }
0x65: {  	_ =	shalt  }
0x66: {  	_ =	shalt  }
0x67: {  	_ =	shalt  }
0x68: {  	_ =	shalt  }
0x69: {  	_ =	shalt  }
0x6a: {  	_ =	shalt  }
0x6b: {  	_ =	shalt  }
0x6c: {  	_ =	shalt  }
0x6d: {  	_ =	shalt  }
0x6e: {  	_ =	shalt  }
0x6f: {  	_ =	shalt  }
0x70: {  	_ =	shalt  }
0x71: {  	_ =	shalt  }
0x72: {  	_ =	shalt  }
0x73: {  	_ =	shalt  }
0x74: {  	_ =	shalt  }
0x75: {  	_ =	shalt  }
0x76: {  	_ =	shalt  }
0x77: {  	_ =	shalt  }
0x78: {  	_ =	shalt  }
0x79: {  	_ =	shalt  }
0x7a: {  	_ =	shalt  }
0x7b: {  	_ =	shalt  }
0x7c: {  	_ =	shalt  }
0x7d: {  	_ =	shalt  }
0x7e: {  	_ =	shalt  }
0x7f: {  	_ =	shalt  }
0x80: {  	_ =	shalt  }
0x81: {  	_ =	shalt  }
0x82: {  	_ =	shalt  }
0x83: {  	_ =	shalt  }
0x84: {  	_ =	shalt  }
0x85: {  	_ =	shalt  }
0x86: {  	_ =	shalt  }
0x87: {  	_ =	shalt  }
.Lfunc_end0:
.L_simem_size_0:
called_computation_lowered:
.L_overlay_start_0:
0x88: {  	s2 =	sld [smem:$0x3FD9]  }
0x89: {  	s3 =	sld [smem:$0x3FFE];
	_ =	sdelay $0x1  }
0x8a: {  	s1 =	srdreg.scid  }
0x8b: {  	s0 =	sand.u32 $0x1, s1  }
0x8c: {  	s18 =	sshll.u32 s0, $0xA;
	s2 =	sadd.s32 s3, s2  }
0x8d: {  	s2 =	sadd.s32 s2, s18  }
0x8e: {  	[smem:$0x3FC7] =	sst s2  }
0x8f: {  	_ = 	snop  }
0x90: {  	s2 =	sld [smem:$0x3FC9]  }
0x91: {  	s19 =	sld [smem:$0x3FD0];
	(tm) =	ssettm $0x1  }
0x92: {  	s4 =	sld [smem:$0x3FFB];
	_ =	sdelay $0x3  }
0x93: {  	_ =	strace s4  }
0x94: {  	s4 =	sld [smem:$0x3FFC];
	_ =	sdelay $0x3  }
0x95: {  	_ =	strace s4  }
0x96: {  	s4 =	sld [smem:$0x3FFD];
	_ =	sdelay $0x3  }
0x97: {  	_ =	strace s4  }
0x98: {  	_ =	strace $0x8FFFFFFF  }
0x99: {  	s20 =	sld [smem:$0x3FDB];
	_ =	sdelay $0x1  }
0x9a: {  	s5 =	simm.s32 $_scs_section_size  }
0x9b: {  	s6 =	simm.s32 $_size__tile_overlayer_lowered;
	s7 =	simm.s32 $_tile_overlayer_lowered  }
0x9c: {  	s23 =	simm.s32 $0x1BFF;
	s22 =	sshll.u32 s7, $0x1;
	s4 =	sadd.s32 s5, s20  }
0x9d: {  	s8 =	simm.s32 $0x0;
	s21 =	sshll.u32 s6, $0x1;
	s6 =	sadd.s32 s22, s4  }
0x9e: {  	[timem:s8], [sflag:s23] =	dma.local [hbm:s6], s21  }
0x9f: {  	_ =	swait.ge [sflag:s23], s21  }
0xa0: {  	s5 =	ssub.s32 $0x0, s21;
	[sflag:s23] =	ssyncset.done $0x0  }
0xa1: {  	[sflag:s23] =	ssyncadd.s32 s5;
	_ =	sdelay $0x1  }
0xa2: {  	s24 =	simm.s32 $0x1B8B  }
0xa3: {  	_ =	swait.ge [sflag:s24], $0x1  }
0xa4: {  	[sflag:s24] =	ssyncset.done $0x0  }
0xa5: {  	s25 =	simm.s32 $0x1B8E;
	[sflag:s24] =	ssyncadd.s32 $0xFFFFFFFF  }
0xa6: {  	s26 =	simm.s32 $execute0_lowered;
	[smem:$0x3FD2] =	sst s25  }
0xa7: {  	s5 =	sshll.u32 s26, $0x1;
	_ =	strace $0x80000046;
	[dreg:$0x1] =	wrdreg $0xFFFFFFFF  }
0xa8: {  	s28 =	simm.s32 $_size_execute0_lowered;
	s4 =	sadd.s32 s4, s5;
	[dreg:$0x0] =	wrdreg $0x0  }
0xa9: {  	s5 =	sshll.u32 s28, $0x1;
	[dreg:$0x2] =	wrdreg s4  }
0xaa: {  	[dreg:$0x3] =	wrdreg s5  }
0xab: {  	[dreg:$0x4] =	wrdreg $0xC0  }
0xac: {  	_ =	task [dreg:s8], $0x5FFFF  }
0xad: {  	[dreg:$0x1] =	wrdreg $0xFFFFFFFF  }
0xae: {  	[dreg:$0x0] =	wrdreg $0x60  }
0xaf: {  	[dreg:$0x2] =	wrdreg s2  }
0xb0: {  	[dreg:$0x3] =	wrdreg s19  }
0xb1: {  	[dreg:$0x4] =	wrdreg $0x9  }
0xb2: {  	_ =	task.clear_ibuf [dreg:s8], $0x5FFFF;
	_ =	strace $0x90000046  }
0xb3: {  	s29 =	simm.s32 $0x9;
	_ =	strace $0x80000048  }
0xb4: {  	_ =	swait.ge [sflag:s29], $0x1  }
0xb5: {  	[sflag:s29] =	ssyncadd.s32 $0xFFFFFFFF  }
0xb6: {  	_ =	strace $0x90000048  }
0xb7: {  	_ =	sfence  }
0xb8: {  	s30 =	sld [smem:$0x0];
	_ =	sdelay $0x2  }
0xb9: {  	s31 =	sshll.u32 s1, $0xD;
	s1 =	sshrl.u32 s1, $0x2  }
0xba: {  	s3 =	sand.u32 $0x4000, s31;
	s1 =	sadd.s32 s1, s30  }
0xbb: {  	s0 =	sor.u32 s3, s0;
	s1 =	sshll.u32 s1, $0x11  }
0xbc: {  	s0 =	sor.u32 s1, s0  }
0xbd: {  	s0 =	sadd.s32 $0x8F2B, s0  }
0xbe: {  	[sflag:s0] =	ssyncadd.remote.s32 $0x1  }
0xbf: {  	_ =	sfence.sel $0xFFFF  }
0xc0: {  	[dreg:$0x0] =	wrdreg $0xFFFFFFFF;
	(pc) =	sbr.abs _section_cstart, $3  }
0xc1: {  	[dreg:$0x1] =	wrdreg $0xFFFFFFFF  }
0xc2: {  	_ =	task.clear_ibuf [dreg:s8], $0x2FFFF;
	_ =	strace $0x9FFFFFFF  }
0xc3: {  	(tm) =	ssettm $0x7FFFFFFF  }
tec
execute0_lowered:
.L_overlay_start_1:
0x0: {  	(tag) =	ssettag $0x1  }
0x1: {  	s2 =	rddreg [dreg:$0x0];
	s0 =	srdreg.scid  }
0x2: {  	s3 =	rddreg [dreg:$0x1];
	s1 =	stileid.u32  }
0x3: {  	s4 =	simm.s32 $0x0;
	s17 =	simm.s32 $0x6;
	s18 =	simm.s32 $0x400  }
0x4: {  	s19 =	simm.s32 $0x320000;
	s20 =	simm.s32 $0x7;
	s21 =	simm.s32 $0x5400  }
0x5: {  	s28 =	simm.s32 $0x15000;
	s29 =	simm.s32 $0x1;
	s0 =	sand.u32 $0x1, s0  }
0x6: {  	s1 =	sshll.u32 s1, $0x3;
	s5 =	sshll.u32 s0, $0x2;
	s0 =	ssub.s32 $0x2, s0  }
0x7: {  	s30 =	simm.s32 $0x2;
	s5 =	sor.u32 s5, s1;
	s22 =	sshrl.u32 s0, $0x1  }
0x8: {  	s31 =	simm.s32 $0x3;
	s6 =	sshll.u32 s5, $0x7;
	s0 =	ssub.s32 s0, s22  }
0x9: {  	[smem:$0x7FF] =	sst s4;
	s6 =	sadd.s32 s2, s6;
	s0 =	smax.u32 s0, $0x1  }
0xa: {  	_ =	strace $0x80000047;
	s23 =	sadd.s32 $0x4000, s6;
	[dreg:$0x7] =	wrdreg s0  }
0xb: {  	s12 =	simm.s32 $0x0;
	s24 =	sadd.s32 $0x8000, s6;
	[dreg:$0x3] =	wrdreg s23  }
0xc: {  	s1 =	simm.s32 $0x5;
	s25 =	sadd.s32 $0xC000, s6;
	[dreg:$0x4] =	wrdreg s24  }
0xd: {  	s22 =	simm.s32 $0x8;
	s26 =	sadd.s32 $0x10000, s6;
	[dreg:$0x5] =	wrdreg s25  }
0xe: {  	s0 =	simm.s32 $0x4;
	[dreg:$0x6] =	wrdreg s26;
	s23 =	simm.s32 $0xA800  }
0xf: {  	v0 =	vlaneseq.u32;
	v1 =	vimm.f32 $0.0e+00;
	s24 =	simm.s32 $0x9;
	s25 =	simm.s32 $0xFC00;
	s26 =	simm.s32 $0xA  }
.LBB2_1:
0x10: {  	s7 =	simm.s32 $0x1A400  }
0x11: {  	[tilespmem:s7], [sflag:$0x6] =	stream.linear.gather [hbm4b:s6+s4], $0x400, $0x38;
	[tilespmem:$0x1B800] =	vst v63  }
0x12: {  	s9 =	rddreg [dreg:$0x3];
	s8 =	simm.s32 $0x1A800  }
0x13: {  	[tilespmem:s8], [sflag:$0x7] =	stream.linear.gather [hbm4b:s9+s4], $0x400, $0x38;
	[tilespmem:$0x1B800] =	vst v63  }
0x14: {  	s10 =	rddreg [dreg:$0x4];
	s11 =	simm.s32 $0x1AC00  }
0x15: {  	[tilespmem:s11], [sflag:$0x8] =	stream.linear.gather [hbm4b:s10+s4], $0x400, $0x38;
	[tilespmem:$0x1B800] =	vst v63  }
0x16: {  	s13 =	rddreg [dreg:$0x5];
	s14 =	simm.s32 $0x1B000  }
0x17: {  	[tilespmem:s14], [sflag:$0x9] =	stream.linear.gather [hbm4b:s13+s4], $0x400, $0x38;
	[tilespmem:$0x1B800] =	vst v63  }
0x18: {  	s15 =	rddreg [dreg:$0x6];
	s16 =	simm.s32 $0x1B400  }
0x19: {  	[tilespmem:s16], [sflag:$0xA] =	stream.linear.gather [hbm4b:s15+s4], $0x400, $0x38;
	[tilespmem:$0x1B800] =	vst v63  }
0x1a: {  	s13 =	simm.s32 $0x0;
	s14 =	simm.s32 $0x0;
	s15 =	simm.s32 $0x0  }
.LBB2_2:
0x1b: {  	_ =	swait.ge [sflag:s17], $0x400  }
0x1c: {  	p0 =	seq.s32 s14, $0x0;
	[sflag:s17] =	ssyncset.done $0x0  }
0x1d: {  	s16 =	sadd.s32 s5, s13;
	s7 =	simm.s32 @!p0 $0x1;
	[sflag:s17] =	ssyncadd.s32 $0xFFFFFC00  }
0x1e: {  	s9 =	simm.s32 $0x0;
	s8 =	simm.s32 $0x0;
	_ =	swait.ge @!p0 [sflag:s7], $0x5400  }
0x1f: {  	s10 =	sand.u32 $0x70, s9;
	s8 =	sand.u32 $0xFFFFFF80, s8;
	[sflag:s7] =	ssyncset.done @!p0 $0x0  }
0x20: {  	s11 =	simm.s32 $0x1;
	[sflag:s7] =	ssyncadd.s32 @!p0 $0xFFFFAC00;
	s7 =	sor.u32 s10, s8  }
.LBB2_3:
0x21: {  	p1 =	sne.s32 s11, $0x3F;
	[tilespmem:s7+$0x0] =	vst v1  }
0x22: {  	v2 =	vld [tilespmem:s7+$0x1A400];
	[tilespmem:s7+$0x400] =	vst v1  }
0x23: {  	[tilespmem:s7+$0x800] =	vst v1  }
0x24: {  	[tilespmem:s7+$0xC00] =	vst v1  }
0x25: {  	[tilespmem:s7+$0x1000] =	vst v1  }
0x26: {  	[tilespmem:s7+$0x1400] =	vst v1  }
0x27: {  	v2 =	vmax.f32 v2, $0.0e+00;
	[tilespmem:s7+$0x1800] =	vst v1  }
0x28: {  	v2 =	vmin.f32 v2, $2.000000000e+01;
	[tilespmem:s7+$0x1C00] =	vst v1  }
0x29: {  	v3 =	vtrunc.f32 v2;
	[tilespmem:s7+$0x2000] =	vst v1  }
0x2a: {  	v3 =	vcvt.f32.s32 v3;
	[tilespmem:s7+$0x2400] =	vst v1  }
0x2b: {  	[tilespmem:s7+$0x2800] =	vst v1  }
0x2c: {  	v4 =	vadd.s32 $0x1, v3;
	[tilespmem:s7+$0x2C00] =	vst v1  }
0x2d: {  	vm0 =	vlt.s32 v4, $0x14;
	[tilespmem:s7+$0x3000] =	vst v1  }
0x2e: {  	v4 =	vnsel vm0, $0x14, v4;
	[tilespmem:s7+$0x3400] =	vst v1  }
0x2f: {  	[tilespmem:s7+$0x3800] =	vst v1;
	v4 =	vshll.u32 v4, $0xA  }
0x30: {  	v5 =	vor.u32 s10, v0;
	v6 =	vshll.u32 v3, $0xA;
	[tilespmem:s7+$0x3C00] =	vst v1;
	v4 =	vadd.s32 s8, v4  }
0x31: {  	v3 =	vcvt.s32.f32 v3;
	v6 =	vadd.s32 s8, v6;
	[tilespmem:s7+$0x4000] =	vst v1;
	v4 =	vor.u32 v5, v4  }
0x32: {  	v5 =	vor.u32 v5, v6;
	[tilespmem:s7+$0x4400] =	vst v1  }
.Ltmp0:
0x33: {  	v2 =	vsub.f32 v2, v3;
	[tilespmem:s7+$0x4800] =	vst v1;
	(pc) =	sbr.rel @p1 .LBB2_3-.Ltmp0, $4  }
0x34: {  	[tilespmem:s7+$0x4C00] =	vst v1  }
0x35: {  	s9 =	sadd.s32 $0x10, s9;
	s8 =	sshll.u32 s11, $0x4;
	v3 =	vsub.f32 $1.000000000e+00, v2;
	[tilespmem:s7+$0x5000] =	vst v1  }
0x36: {  	s10 =	sand.u32 $0x70, s9;
	s8 =	sand.u32 $0xFFFFFF80, s8;
	[tilespmem:v4+s4+$0x0] =	vst.idx.msk $0xffff, v2  }
0x37: {  	s11 =	sadd.s32 $0x1, s11;
	s7 =	sor.u32 s10, s8;
	[tilespmem:v5+s4+$0x0] =	vst.idx.msk $0xffff, v3  }
0x38: {  	[tilespmem:s7+$0x0] =	vst v1  }
0x39: {  	v2 =	vld [tilespmem:s7+$0x1A400];
	[tilespmem:s7+$0x400] =	vst v1  }
0x3a: {  	[tilespmem:s7+$0x800] =	vst v1  }
0x3b: {  	[tilespmem:s7+$0xC00] =	vst v1  }
0x3c: {  	[tilespmem:s7+$0x1000] =	vst v1  }
0x3d: {  	[tilespmem:s7+$0x1400] =	vst v1  }
0x3e: {  	[tilespmem:s7+$0x1800] =	vst v1;
	v2 =	vmax.f32 v2, $0.0e+00  }
0x3f: {  	[tilespmem:s7+$0x1C00] =	vst v1;
	v2 =	vmin.f32 v2, $2.000000000e+01  }
0x40: {  	[tilespmem:s7+$0x2000] =	vst v1;
	v3 =	vtrunc.f32 v2  }
0x41: {  	[tilespmem:s7+$0x2400] =	vst v1;
	v3 =	vcvt.f32.s32 v3  }
0x42: {  	[tilespmem:s7+$0x2800] =	vst v1  }
0x43: {  	[tilespmem:s7+$0x2C00] =	vst v1;
	v4 =	vadd.s32 $0x1, v3  }
0x44: {  	[tilespmem:s7+$0x3000] =	vst v1;
	vm0 =	vlt.s32 v4, $0x14  }
0x45: {  	[tilespmem:s7+$0x3400] =	vst v1;
	v4 =	vnsel vm0, $0x14, v4  }
0x46: {  	[tilespmem:s7+$0x3800] =	vst v1;
	v4 =	vshll.u32 v4, $0xA  }
0x47: {  	v5 =	vor.u32 s10, v0;
	[tilespmem:s7+$0x3C00] =	vst v1;
	v6 =	vshll.u32 v3, $0xA;
	v4 =	vadd.s32 s8, v4  }
0x48: {  	[tilespmem:s7+$0x4000] =	vst v1;
	v3 =	vcvt.s32.f32 v3;
	v6 =	vadd.s32 s8, v6;
	v4 =	vor.u32 v5, v4  }
0x49: {  	[tilespmem:s7+$0x4400] =	vst v1;
	v5 =	vor.u32 v5, v6  }
0x4a: {  	[tilespmem:s7+$0x4800] =	vst v1;
	v2 =	vsub.f32 v2, v3  }
0x4b: {  	[tilespmem:s7+$0x4C00] =	vst v1;
	s11 =	sshll.u32 s15, $0x11;
	s9 =	sshll.u32 s16, $0xA  }
0x4c: {  	[tilespmem:s7+$0x5000] =	vst v1;
	s10 =	sadd.s32 s9, s11;
	v3 =	vsub.f32 $1.000000000e+00, v2  }
0x4d: {  	s7 =	sshrl.u32 s10, $0x3;
	[tilespmem:v4+s4+$0x0] =	vst.idx.msk $0xffff, v2  }
0x4e: {  	s7 =	sadd.s32 s3, s7;
	[tilespmem:v5+s4+$0x0] =	vst.idx.msk $0xffff, v3  }
0x4f: {  	[hbm4b:s7+s18] =	stream.strided.scatter [tilespmem:s4], [sflag:$0x1], $0x5400, s19, s18, $0x38;
	[tilespmem:$0x1B800] =	vst v63  }
0x50: {  	s7 =	sadd.s32 $0x5, s15  }
0x51: {  	s9 =	smov.u32 s13;
	s8 =	sadd.s32 $0x1, s13;
	p1 =	sgt.s32 s7, $0x18  }
0x52: {  	s9 =	smov.u32 @p1 s8  }
0x53: {  	p1 =	sgt.s32 s9, $0x3  }
0x54: {  	p2 =	sgt.s32 @!p1 s7, $0x18  }
0x55: {  	s10 =	sadd.s32 @!p1 $0xFFFFFFEC, s15;
	p2 =	por !p2, p1  }
0x56: {  	s10 =	smov.u32 @p2 s7;
	s7 =	sadd.s32 @!p1 s5, s9  }
0x57: {  	s9 =	sshll.u32 @!p1 s10, $0x11;
	s7 =	sshll.u32 @!p1 s7, $0xA  }
0x58: {  	s7 =	sadd.s32 @!p1 s9, s7  }
0x59: {  	s7 =	sshrl.u32 @!p1 s7, $0x3  }
0x5a: {  	s10 =	simm.s32 @!p1 $0x1A400;
	s9 =	simm.s32 @!p1 $0x0;
	s7 =	sadd.s32 @!p1 s2, s7  }
0x5b: {  	[tilespmem:s10], [sflag:$0x6] =	stream.linear.gather @!p1 [hbm4b:s7+s9], $0x400, $0x38;
	[tilespmem:$0x1B800] =	vst v63  }
0x5c: {  	s11 =	simm.s32 $0x0;
	p1 =	seq.s32 s15, $0x18;
	_ =	swait.ge [sflag:s20], $0x400  }
0x5d: {  	s15 =	sadd.s32 $0x1, s15;
	s7 =	simm.s32 @!p0 $0x2;
	[sflag:s20] =	ssyncset.done $0x0  }
0x5e: {  	s9 =	simm.s32 $0x0;
	s13 =	smov.u32 @p1 s8;
	[sflag:s20] =	ssyncadd.s32 $0xFFFFFC00  }
0x5f: {  	s15 =	simm.s32 @p1 $0x0;
	s10 =	sand.u32 $0x70, s9;
	_ =	swait.ge @!p0 [sflag:s7], $0x5400  }
0x60: {  	s8 =	sand.u32 $0xFFFFFF80, s11;
	s11 =	simm.s32 $0x1;
	[sflag:s7] =	ssyncset.done @!p0 $0x0  }
0x61: {  	s16 =	sadd.s32 s5, s13;
	[sflag:s7] =	ssyncadd.s32 @!p0 $0xFFFFAC00;
	s7 =	sor.u32 s10, s8  }
.LBB2_5:
0x62: {  	p1 =	sne.s32 s11, $0x3F;
	[tilespmem:s7+$0x5400] =	vst v1  }
0x63: {  	v2 =	vld [tilespmem:s7+$0x1A800];
	[tilespmem:s7+$0x5800] =	vst v1  }
0x64: {  	[tilespmem:s7+$0x5C00] =	vst v1  }
0x65: {  	[tilespmem:s7+$0x6000] =	vst v1  }
0x66: {  	[tilespmem:s7+$0x6400] =	vst v1  }
0x67: {  	[tilespmem:s7+$0x6800] =	vst v1  }
0x68: {  	v2 =	vmax.f32 v2, $0.0e+00;
	[tilespmem:s7+$0x6C00] =	vst v1  }
0x69: {  	v2 =	vmin.f32 v2, $2.000000000e+01;
	[tilespmem:s7+$0x7000] =	vst v1  }
0x6a: {  	v3 =	vtrunc.f32 v2;
	[tilespmem:s7+$0x7400] =	vst v1  }
0x6b: {  	v3 =	vcvt.f32.s32 v3;
	[tilespmem:s7+$0x7800] =	vst v1  }
0x6c: {  	[tilespmem:s7+$0x7C00] =	vst v1  }
0x6d: {  	v4 =	vadd.s32 $0x1, v3;
	[tilespmem:s7+$0x8000] =	vst v1  }
0x6e: {  	vm0 =	vlt.s32 v4, $0x14;
	[tilespmem:s7+$0x8400] =	vst v1  }
0x6f: {  	v4 =	vnsel vm0, $0x14, v4;
	[tilespmem:s7+$0x8800] =	vst v1  }
0x70: {  	[tilespmem:s7+$0x8C00] =	vst v1;
	v4 =	vshll.u32 v4, $0xA  }
0x71: {  	v5 =	vor.u32 s10, v0;
	v6 =	vshll.u32 v3, $0xA;
	[tilespmem:s7+$0x9000] =	vst v1;
	v4 =	vadd.s32 s8, v4  }
0x72: {  	v3 =	vcvt.s32.f32 v3;
	v6 =	vadd.s32 s8, v6;
	[tilespmem:s7+$0x9400] =	vst v1;
	v4 =	vor.u32 v5, v4  }
0x73: {  	v5 =	vor.u32 v5, v6;
	[tilespmem:s7+$0x9800] =	vst v1  }
.Ltmp1:
0x74: {  	v2 =	vsub.f32 v2, v3;
	[tilespmem:s7+$0x9C00] =	vst v1;
	(pc) =	sbr.rel @p1 .LBB2_5-.Ltmp1, $4  }
0x75: {  	[tilespmem:s7+$0xA000] =	vst v1  }
0x76: {  	s9 =	sadd.s32 $0x10, s9;
	s8 =	sshll.u32 s11, $0x4;
	v3 =	vsub.f32 $1.000000000e+00, v2;
	[tilespmem:s7+$0xA400] =	vst v1  }
0x77: {  	s10 =	sand.u32 $0x70, s9;
	s8 =	sand.u32 $0xFFFFFF80, s8;
	[tilespmem:v4+s21+$0x0] =	vst.idx.msk $0xffff, v2  }
0x78: {  	s11 =	sadd.s32 $0x1, s11;
	s7 =	sor.u32 s10, s8;
	[tilespmem:v5+s21+$0x0] =	vst.idx.msk $0xffff, v3  }
0x79: {  	[tilespmem:s7+$0x5400] =	vst v1  }
0x7a: {  	v2 =	vld [tilespmem:s7+$0x1A800];
	[tilespmem:s7+$0x5800] =	vst v1  }
0x7b: {  	[tilespmem:s7+$0x5C00] =	vst v1  }
0x7c: {  	[tilespmem:s7+$0x6000] =	vst v1  }
0x7d: {  	[tilespmem:s7+$0x6400] =	vst v1  }
0x7e: {  	[tilespmem:s7+$0x6800] =	vst v1  }
0x7f: {  	[tilespmem:s7+$0x6C00] =	vst v1;
	v2 =	vmax.f32 v2, $0.0e+00  }
0x80: {  	[tilespmem:s7+$0x7000] =	vst v1;
	v2 =	vmin.f32 v2, $2.000000000e+01  }
0x81: {  	[tilespmem:s7+$0x7400] =	vst v1;
	v3 =	vtrunc.f32 v2  }
0x82: {  	[tilespmem:s7+$0x7800] =	vst v1;
	v3 =	vcvt.f32.s32 v3  }
0x83: {  	[tilespmem:s7+$0x7C00] =	vst v1  }
0x84: {  	[tilespmem:s7+$0x8000] =	vst v1;
	v4 =	vadd.s32 $0x1, v3  }
0x85: {  	[tilespmem:s7+$0x8400] =	vst v1;
	vm0 =	vlt.s32 v4, $0x14  }
0x86: {  	[tilespmem:s7+$0x8800] =	vst v1;
	v4 =	vnsel vm0, $0x14, v4  }
0x87: {  	[tilespmem:s7+$0x8C00] =	vst v1;
	v4 =	vshll.u32 v4, $0xA  }
0x88: {  	v5 =	vor.u32 s10, v0;
	[tilespmem:s7+$0x9000] =	vst v1;
	v6 =	vshll.u32 v3, $0xA;
	v4 =	vadd.s32 s8, v4  }
0x89: {  	[tilespmem:s7+$0x9400] =	vst v1;
	v3 =	vcvt.s32.f32 v3;
	v6 =	vadd.s32 s8, v6;
	v4 =	vor.u32 v5, v4  }
0x8a: {  	[tilespmem:s7+$0x9800] =	vst v1;
	v5 =	vor.u32 v5, v6  }
0x8b: {  	[tilespmem:s7+$0x9C00] =	vst v1;
	v2 =	vsub.f32 v2, v3  }
0x8c: {  	[tilespmem:s7+$0xA000] =	vst v1;
	s11 =	sshll.u32 s15, $0x11;
	s9 =	sshll.u32 s16, $0xA  }
0x8d: {  	[tilespmem:s7+$0xA400] =	vst v1;
	s10 =	sadd.s32 s11, s9;
	v3 =	vsub.f32 $1.000000000e+00, v2  }
0x8e: {  	s7 =	sshrl.u32 s10, $0x3;
	[tilespmem:v4+s21+$0x0] =	vst.idx.msk $0xffff, v2  }
0x8f: {  	s7 =	sadd.s32 s3, s7;
	[tilespmem:v5+s21+$0x0] =	vst.idx.msk $0xffff, v3  }
0x90: {  	[hbm4b:s7+s18] =	stream.strided.scatter [tilespmem:s21], [sflag:$0x2], $0x5400, s19, s18, $0x38;
	[tilespmem:$0x1B800] =	vst v63  }
0x91: {  	s7 =	sadd.s32 $0x5, s15  }
0x92: {  	s9 =	smov.u32 s13;
	s8 =	sadd.s32 $0x1, s13;
	p1 =	sgt.s32 s7, $0x18  }
0x93: {  	s9 =	smov.u32 @p1 s8  }
0x94: {  	p1 =	sgt.s32 s9, $0x3  }
0x95: {  	p2 =	sgt.s32 @!p1 s7, $0x18  }
0x96: {  	s10 =	sadd.s32 @!p1 $0xFFFFFFEC, s15;
	p2 =	por !p2, p1  }
0x97: {  	s10 =	smov.u32 @p2 s7;
	s7 =	sadd.s32 @!p1 s5, s9  }
0x98: {  	s9 =	sshll.u32 @!p1 s10, $0x11;
	s7 =	sshll.u32 @!p1 s7, $0xA  }
0x99: {  	s7 =	sadd.s32 @!p1 s9, s7  }
0x9a: {  	s7 =	sshrl.u32 @!p1 s7, $0x3  }
0x9b: {  	s10 =	simm.s32 @!p1 $0x1A800;
	s9 =	simm.s32 @!p1 $0x0;
	s7 =	sadd.s32 @!p1 s2, s7  }
0x9c: {  	[tilespmem:s10], [sflag:$0x7] =	stream.linear.gather @!p1 [hbm4b:s7+s9], $0x400, $0x38;
	[tilespmem:$0x1B800] =	vst v63  }
0x9d: {  	s11 =	simm.s32 $0x0;
	p1 =	seq.s32 s15, $0x18;
	_ =	swait.ge [sflag:s22], $0x400  }
0x9e: {  	s15 =	sadd.s32 $0x1, s15;
	s7 =	simm.s32 @!p0 $0x3;
	[sflag:s22] =	ssyncset.done $0x0  }
0x9f: {  	s9 =	simm.s32 $0x0;
	s13 =	smov.u32 @p1 s8;
	[sflag:s22] =	ssyncadd.s32 $0xFFFFFC00  }
0xa0: {  	s15 =	simm.s32 @p1 $0x0;
	s10 =	sand.u32 $0x70, s9;
	_ =	swait.ge @!p0 [sflag:s7], $0x5400  }
0xa1: {  	s8 =	sand.u32 $0xFFFFFF80, s11;
	s11 =	simm.s32 $0x1;
	[sflag:s7] =	ssyncset.done @!p0 $0x0  }
0xa2: {  	s16 =	sadd.s32 s5, s13;
	[sflag:s7] =	ssyncadd.s32 @!p0 $0xFFFFAC00;
	s7 =	sor.u32 s10, s8  }
.LBB2_7:
0xa3: {  	p1 =	sne.s32 s11, $0x3F;
	[tilespmem:s7+$0xA800] =	vst v1  }
0xa4: {  	v2 =	vld [tilespmem:s7+$0x1AC00];
	[tilespmem:s7+$0xAC00] =	vst v1  }
0xa5: {  	[tilespmem:s7+$0xB000] =	vst v1  }
0xa6: {  	[tilespmem:s7+$0xB400] =	vst v1  }
0xa7: {  	[tilespmem:s7+$0xB800] =	vst v1  }
0xa8: {  	[tilespmem:s7+$0xBC00] =	vst v1  }
0xa9: {  	v2 =	vmax.f32 v2, $0.0e+00;
	[tilespmem:s7+$0xC000] =	vst v1  }
0xaa: {  	v2 =	vmin.f32 v2, $2.000000000e+01;
	[tilespmem:s7+$0xC400] =	vst v1  }
0xab: {  	v3 =	vtrunc.f32 v2;
	[tilespmem:s7+$0xC800] =	vst v1  }
0xac: {  	v3 =	vcvt.f32.s32 v3;
	[tilespmem:s7+$0xCC00] =	vst v1  }
0xad: {  	[tilespmem:s7+$0xD000] =	vst v1  }
0xae: {  	v4 =	vadd.s32 $0x1, v3;
	[tilespmem:s7+$0xD400] =	vst v1  }
0xaf: {  	vm0 =	vlt.s32 v4, $0x14;
	[tilespmem:s7+$0xD800] =	vst v1  }
0xb0: {  	v4 =	vnsel vm0, $0x14, v4;
	[tilespmem:s7+$0xDC00] =	vst v1  }
0xb1: {  	[tilespmem:s7+$0xE000] =	vst v1;
	v4 =	vshll.u32 v4, $0xA  }
0xb2: {  	v5 =	vor.u32 s10, v0;
	v6 =	vshll.u32 v3, $0xA;
	[tilespmem:s7+$0xE400] =	vst v1;
	v4 =	vadd.s32 s8, v4  }
0xb3: {  	v3 =	vcvt.s32.f32 v3;
	v6 =	vadd.s32 s8, v6;
	[tilespmem:s7+$0xE800] =	vst v1;
	v4 =	vor.u32 v5, v4  }
0xb4: {  	v5 =	vor.u32 v5, v6;
	[tilespmem:s7+$0xEC00] =	vst v1  }
.Ltmp2:
0xb5: {  	v2 =	vsub.f32 v2, v3;
	[tilespmem:s7+$0xF000] =	vst v1;
	(pc) =	sbr.rel @p1 .LBB2_7-.Ltmp2, $4  }
0xb6: {  	[tilespmem:s7+$0xF400] =	vst v1  }
0xb7: {  	s9 =	sadd.s32 $0x10, s9;
	s8 =	sshll.u32 s11, $0x4;
	v3 =	vsub.f32 $1.000000000e+00, v2;
	[tilespmem:s7+$0xF800] =	vst v1  }
0xb8: {  	s10 =	sand.u32 $0x70, s9;
	s8 =	sand.u32 $0xFFFFFF80, s8;
	[tilespmem:v4+s23+$0x0] =	vst.idx.msk $0xffff, v2  }
0xb9: {  	s11 =	sadd.s32 $0x1, s11;
	s7 =	sor.u32 s10, s8;
	[tilespmem:v5+s23+$0x0] =	vst.idx.msk $0xffff, v3  }
0xba: {  	[tilespmem:s7+$0xA800] =	vst v1  }
0xbb: {  	v2 =	vld [tilespmem:s7+$0x1AC00];
	[tilespmem:s7+$0xAC00] =	vst v1  }
0xbc: {  	[tilespmem:s7+$0xB000] =	vst v1  }
0xbd: {  	[tilespmem:s7+$0xB400] =	vst v1  }
0xbe: {  	[tilespmem:s7+$0xB800] =	vst v1  }
0xbf: {  	[tilespmem:s7+$0xBC00] =	vst v1  }
0xc0: {  	[tilespmem:s7+$0xC000] =	vst v1;
	v2 =	vmax.f32 v2, $0.0e+00  }
0xc1: {  	[tilespmem:s7+$0xC400] =	vst v1;
	v2 =	vmin.f32 v2, $2.000000000e+01  }
0xc2: {  	[tilespmem:s7+$0xC800] =	vst v1;
	v3 =	vtrunc.f32 v2  }
0xc3: {  	[tilespmem:s7+$0xCC00] =	vst v1;
	v3 =	vcvt.f32.s32 v3  }
0xc4: {  	[tilespmem:s7+$0xD000] =	vst v1  }
0xc5: {  	[tilespmem:s7+$0xD400] =	vst v1;
	v4 =	vadd.s32 $0x1, v3  }
0xc6: {  	[tilespmem:s7+$0xD800] =	vst v1;
	vm0 =	vlt.s32 v4, $0x14  }
0xc7: {  	[tilespmem:s7+$0xDC00] =	vst v1;
	v4 =	vnsel vm0, $0x14, v4  }
0xc8: {  	[tilespmem:s7+$0xE000] =	vst v1;
	v4 =	vshll.u32 v4, $0xA  }
0xc9: {  	v5 =	vor.u32 s10, v0;
	[tilespmem:s7+$0xE400] =	vst v1;
	v6 =	vshll.u32 v3, $0xA;
	v4 =	vadd.s32 s8, v4  }
0xca: {  	[tilespmem:s7+$0xE800] =	vst v1;
	v3 =	vcvt.s32.f32 v3;
	v6 =	vadd.s32 s8, v6;
	v4 =	vor.u32 v5, v4  }
0xcb: {  	[tilespmem:s7+$0xEC00] =	vst v1;
	v5 =	vor.u32 v5, v6  }
0xcc: {  	[tilespmem:s7+$0xF000] =	vst v1;
	v2 =	vsub.f32 v2, v3  }
0xcd: {  	[tilespmem:s7+$0xF400] =	vst v1;
	s11 =	sshll.u32 s15, $0x11;
	s9 =	sshll.u32 s16, $0xA  }
0xce: {  	[tilespmem:s7+$0xF800] =	vst v1;
	s10 =	sadd.s32 s11, s9;
	v3 =	vsub.f32 $1.000000000e+00, v2  }
0xcf: {  	s7 =	sshrl.u32 s10, $0x3;
	[tilespmem:v4+s23+$0x0] =	vst.idx.msk $0xffff, v2  }
0xd0: {  	s7 =	sadd.s32 s3, s7;
	[tilespmem:v5+s23+$0x0] =	vst.idx.msk $0xffff, v3  }
0xd1: {  	[hbm4b:s7+s18] =	stream.strided.scatter [tilespmem:s23], [sflag:$0x3], $0x5400, s19, s18, $0x38;
	[tilespmem:$0x1B800] =	vst v63  }
0xd2: {  	s7 =	sadd.s32 $0x5, s15  }
0xd3: {  	s9 =	smov.u32 s13;
	s8 =	sadd.s32 $0x1, s13;
	p1 =	sgt.s32 s7, $0x18  }
0xd4: {  	s9 =	smov.u32 @p1 s8  }
0xd5: {  	p1 =	sgt.s32 s9, $0x3  }
0xd6: {  	p2 =	sgt.s32 @!p1 s7, $0x18  }
0xd7: {  	s10 =	sadd.s32 @!p1 $0xFFFFFFEC, s15;
	p2 =	por !p2, p1  }
0xd8: {  	s10 =	smov.u32 @p2 s7;
	s7 =	sadd.s32 @!p1 s5, s9  }
0xd9: {  	s9 =	sshll.u32 @!p1 s10, $0x11;
	s7 =	sshll.u32 @!p1 s7, $0xA  }
0xda: {  	s7 =	sadd.s32 @!p1 s9, s7  }
0xdb: {  	s7 =	sshrl.u32 @!p1 s7, $0x3  }
0xdc: {  	s10 =	simm.s32 @!p1 $0x1AC00;
	s9 =	simm.s32 @!p1 $0x0;
	s7 =	sadd.s32 @!p1 s2, s7  }
0xdd: {  	[tilespmem:s10], [sflag:$0x8] =	stream.linear.gather @!p1 [hbm4b:s7+s9], $0x400, $0x38;
	[tilespmem:$0x1B800] =	vst v63  }
0xde: {  	s11 =	simm.s32 $0x0;
	p1 =	seq.s32 s15, $0x18;
	_ =	swait.ge [sflag:s24], $0x400  }
0xdf: {  	s15 =	sadd.s32 $0x1, s15;
	s7 =	simm.s32 @!p0 $0x4;
	[sflag:s24] =	ssyncset.done $0x0  }
0xe0: {  	s9 =	simm.s32 $0x0;
	s13 =	smov.u32 @p1 s8;
	[sflag:s24] =	ssyncadd.s32 $0xFFFFFC00  }
0xe1: {  	s15 =	simm.s32 @p1 $0x0;
	s10 =	sand.u32 $0x70, s9;
	_ =	swait.ge @!p0 [sflag:s7], $0x5400  }
0xe2: {  	s8 =	sand.u32 $0xFFFFFF80, s11;
	s11 =	simm.s32 $0x1;
	[sflag:s7] =	ssyncset.done @!p0 $0x0  }
0xe3: {  	s16 =	sadd.s32 s5, s13;
	[sflag:s7] =	ssyncadd.s32 @!p0 $0xFFFFAC00;
	s7 =	sor.u32 s10, s8  }
.LBB2_9:
0xe4: {  	p1 =	sne.s32 s11, $0x3F;
	[tilespmem:s7+$0xFC00] =	vst v1  }
0xe5: {  	v2 =	vld [tilespmem:s7+$0x1B000];
	[tilespmem:s7+$0x10000] =	vst v1  }
0xe6: {  	[tilespmem:s7+$0x10400] =	vst v1  }
0xe7: {  	[tilespmem:s7+$0x10800] =	vst v1  }
0xe8: {  	[tilespmem:s7+$0x10C00] =	vst v1  }
0xe9: {  	[tilespmem:s7+$0x11000] =	vst v1  }
0xea: {  	v2 =	vmax.f32 v2, $0.0e+00;
	[tilespmem:s7+$0x11400] =	vst v1  }
0xeb: {  	v2 =	vmin.f32 v2, $2.000000000e+01;
	[tilespmem:s7+$0x11800] =	vst v1  }
0xec: {  	v3 =	vtrunc.f32 v2;
	[tilespmem:s7+$0x11C00] =	vst v1  }
0xed: {  	v3 =	vcvt.f32.s32 v3;
	[tilespmem:s7+$0x12000] =	vst v1  }
0xee: {  	[tilespmem:s7+$0x12400] =	vst v1  }
0xef: {  	v4 =	vadd.s32 $0x1, v3;
	[tilespmem:s7+$0x12800] =	vst v1  }
0xf0: {  	vm0 =	vlt.s32 v4, $0x14;
	[tilespmem:s7+$0x12C00] =	vst v1  }
0xf1: {  	v4 =	vnsel vm0, $0x14, v4;
	[tilespmem:s7+$0x13000] =	vst v1  }
0xf2: {  	[tilespmem:s7+$0x13400] =	vst v1;
	v4 =	vshll.u32 v4, $0xA  }
0xf3: {  	v5 =	vor.u32 s10, v0;
	v6 =	vshll.u32 v3, $0xA;
	[tilespmem:s7+$0x13800] =	vst v1;
	v4 =	vadd.s32 s8, v4  }
0xf4: {  	v3 =	vcvt.s32.f32 v3;
	v6 =	vadd.s32 s8, v6;
	[tilespmem:s7+$0x13C00] =	vst v1;
	v4 =	vor.u32 v5, v4  }
0xf5: {  	v5 =	vor.u32 v5, v6;
	[tilespmem:s7+$0x14000] =	vst v1  }
.Ltmp3:
0xf6: {  	v2 =	vsub.f32 v2, v3;
	[tilespmem:s7+$0x14400] =	vst v1;
	(pc) =	sbr.rel @p1 .LBB2_9-.Ltmp3, $4  }
0xf7: {  	[tilespmem:s7+$0x14800] =	vst v1  }
0xf8: {  	s9 =	sadd.s32 $0x10, s9;
	s8 =	sshll.u32 s11, $0x4;
	v3 =	vsub.f32 $1.000000000e+00, v2;
	[tilespmem:s7+$0x14C00] =	vst v1  }
0xf9: {  	s10 =	sand.u32 $0x70, s9;
	s8 =	sand.u32 $0xFFFFFF80, s8;
	[tilespmem:v4+s25+$0x0] =	vst.idx.msk $0xffff, v2  }
0xfa: {  	s11 =	sadd.s32 $0x1, s11;
	s7 =	sor.u32 s10, s8;
	[tilespmem:v5+s25+$0x0] =	vst.idx.msk $0xffff, v3  }
0xfb: {  	[tilespmem:s7+$0xFC00] =	vst v1  }
0xfc: {  	v2 =	vld [tilespmem:s7+$0x1B000];
	[tilespmem:s7+$0x10000] =	vst v1  }
0xfd: {  	[tilespmem:s7+$0x10400] =	vst v1  }
0xfe: {  	[tilespmem:s7+$0x10800] =	vst v1  }
0xff: {  	[tilespmem:s7+$0x10C00] =	vst v1  }
0x100: {  	[tilespmem:s7+$0x11000] =	vst v1  }
0x101: {  	[tilespmem:s7+$0x11400] =	vst v1;
	v2 =	vmax.f32 v2, $0.0e+00  }
0x102: {  	[tilespmem:s7+$0x11800] =	vst v1;
	v2 =	vmin.f32 v2, $2.000000000e+01  }
0x103: {  	[tilespmem:s7+$0x11C00] =	vst v1;
	v3 =	vtrunc.f32 v2  }
0x104: {  	[tilespmem:s7+$0x12000] =	vst v1;
	v3 =	vcvt.f32.s32 v3  }
0x105: {  	[tilespmem:s7+$0x12400] =	vst v1  }
0x106: {  	[tilespmem:s7+$0x12800] =	vst v1;
	v4 =	vadd.s32 $0x1, v3  }
0x107: {  	[tilespmem:s7+$0x12C00] =	vst v1;
	vm0 =	vlt.s32 v4, $0x14  }
0x108: {  	[tilespmem:s7+$0x13000] =	vst v1;
	v4 =	vnsel vm0, $0x14, v4  }
0x109: {  	[tilespmem:s7+$0x13400] =	vst v1;
	v4 =	vshll.u32 v4, $0xA  }
0x10a: {  	v5 =	vor.u32 s10, v0;
	[tilespmem:s7+$0x13800] =	vst v1;
	v6 =	vshll.u32 v3, $0xA;
	v4 =	vadd.s32 s8, v4  }
0x10b: {  	[tilespmem:s7+$0x13C00] =	vst v1;
	v3 =	vcvt.s32.f32 v3;
	v6 =	vadd.s32 s8, v6;
	v4 =	vor.u32 v5, v4  }
0x10c: {  	[tilespmem:s7+$0x14000] =	vst v1;
	v5 =	vor.u32 v5, v6  }
0x10d: {  	[tilespmem:s7+$0x14400] =	vst v1;
	v2 =	vsub.f32 v2, v3  }
0x10e: {  	[tilespmem:s7+$0x14800] =	vst v1;
	s11 =	sshll.u32 s15, $0x11;
	s9 =	sshll.u32 s16, $0xA  }
0x10f: {  	[tilespmem:s7+$0x14C00] =	vst v1;
	s10 =	sadd.s32 s11, s9;
	v3 =	vsub.f32 $1.000000000e+00, v2  }
0x110: {  	s7 =	sshrl.u32 s10, $0x3;
	[tilespmem:v4+s25+$0x0] =	vst.idx.msk $0xffff, v2  }
0x111: {  	s7 =	sadd.s32 s3, s7;
	[tilespmem:v5+s25+$0x0] =	vst.idx.msk $0xffff, v3  }
0x112: {  	[hbm4b:s7+s18] =	stream.strided.scatter [tilespmem:s25], [sflag:$0x4], $0x5400, s19, s18, $0x38;
	[tilespmem:$0x1B800] =	vst v63  }
0x113: {  	s7 =	sadd.s32 $0x5, s15  }
0x114: {  	s9 =	smov.u32 s13;
	s8 =	sadd.s32 $0x1, s13;
	p1 =	sgt.s32 s7, $0x18  }
0x115: {  	s9 =	smov.u32 @p1 s8  }
0x116: {  	p1 =	sgt.s32 s9, $0x3  }
0x117: {  	p2 =	sgt.s32 @!p1 s7, $0x18  }
0x118: {  	s10 =	sadd.s32 @!p1 $0xFFFFFFEC, s15;
	p2 =	por !p2, p1  }
0x119: {  	s10 =	smov.u32 @p2 s7;
	s7 =	sadd.s32 @!p1 s5, s9  }
0x11a: {  	s9 =	sshll.u32 @!p1 s10, $0x11;
	s7 =	sshll.u32 @!p1 s7, $0xA  }
0x11b: {  	s7 =	sadd.s32 @!p1 s9, s7  }
0x11c: {  	s7 =	sshrl.u32 @!p1 s7, $0x3  }
0x11d: {  	s10 =	simm.s32 @!p1 $0x1B000;
	s9 =	simm.s32 @!p1 $0x0;
	s7 =	sadd.s32 @!p1 s2, s7  }
0x11e: {  	[tilespmem:s10], [sflag:$0x9] =	stream.linear.gather @!p1 [hbm4b:s7+s9], $0x400, $0x38;
	[tilespmem:$0x1B800] =	vst v63  }
0x11f: {  	s11 =	simm.s32 $0x0;
	p1 =	seq.s32 s15, $0x18;
	_ =	swait.ge [sflag:s26], $0x400  }
0x120: {  	s15 =	sadd.s32 $0x1, s15;
	s7 =	simm.s32 @!p0 $0x5;
	[sflag:s26] =	ssyncset.done $0x0  }
0x121: {  	s9 =	simm.s32 $0x0;
	s13 =	smov.u32 @p1 s8;
	[sflag:s26] =	ssyncadd.s32 $0xFFFFFC00  }
0x122: {  	s15 =	simm.s32 @p1 $0x0;
	s10 =	sand.u32 $0x70, s9;
	_ =	swait.ge @!p0 [sflag:s7], $0x5400  }
0x123: {  	s8 =	sand.u32 $0xFFFFFF80, s11;
	s11 =	simm.s32 $0x1;
	[sflag:s7] =	ssyncset.done @!p0 $0x0  }
0x124: {  	s16 =	sadd.s32 s5, s13;
	[sflag:s7] =	ssyncadd.s32 @!p0 $0xFFFFAC00;
	s7 =	sor.u32 s10, s8  }
.LBB2_11:
0x125: {  	p0 =	sne.s32 s11, $0x3F;
	[tilespmem:s7+$0x15000] =	vst v1  }
0x126: {  	v2 =	vld [tilespmem:s7+$0x1B400];
	[tilespmem:s7+$0x15400] =	vst v1  }
0x127: {  	[tilespmem:s7+$0x15800] =	vst v1  }
0x128: {  	[tilespmem:s7+$0x15C00] =	vst v1  }
0x129: {  	[tilespmem:s7+$0x16000] =	vst v1  }
0x12a: {  	[tilespmem:s7+$0x16400] =	vst v1  }
0x12b: {  	v2 =	vmax.f32 v2, $0.0e+00;
	[tilespmem:s7+$0x16800] =	vst v1  }
0x12c: {  	v2 =	vmin.f32 v2, $2.000000000e+01;
	[tilespmem:s7+$0x16C00] =	vst v1  }
0x12d: {  	v3 =	vtrunc.f32 v2;
	[tilespmem:s7+$0x17000] =	vst v1  }
0x12e: {  	v3 =	vcvt.f32.s32 v3;
	[tilespmem:s7+$0x17400] =	vst v1  }
0x12f: {  	[tilespmem:s7+$0x17800] =	vst v1  }
0x130: {  	v4 =	vadd.s32 $0x1, v3;
	[tilespmem:s7+$0x17C00] =	vst v1  }
0x131: {  	vm0 =	vlt.s32 v4, $0x14;
	[tilespmem:s7+$0x18000] =	vst v1  }
0x132: {  	v4 =	vnsel vm0, $0x14, v4;
	[tilespmem:s7+$0x18400] =	vst v1  }
0x133: {  	[tilespmem:s7+$0x18800] =	vst v1;
	v4 =	vshll.u32 v4, $0xA  }
0x134: {  	v5 =	vor.u32 s10, v0;
	v6 =	vshll.u32 v3, $0xA;
	[tilespmem:s7+$0x18C00] =	vst v1;
	v4 =	vadd.s32 s8, v4  }
0x135: {  	v3 =	vcvt.s32.f32 v3;
	v6 =	vadd.s32 s8, v6;
	[tilespmem:s7+$0x19000] =	vst v1;
	v4 =	vor.u32 v5, v4  }
0x136: {  	v5 =	vor.u32 v5, v6;
	[tilespmem:s7+$0x19400] =	vst v1  }
.Ltmp4:
0x137: {  	v2 =	vsub.f32 v2, v3;
	[tilespmem:s7+$0x19800] =	vst v1;
	(pc) =	sbr.rel @p0 .LBB2_11-.Ltmp4, $4  }
0x138: {  	[tilespmem:s7+$0x19C00] =	vst v1  }
0x139: {  	s9 =	sadd.s32 $0x10, s9;
	s8 =	sshll.u32 s11, $0x4;
	v3 =	vsub.f32 $1.000000000e+00, v2;
	[tilespmem:s7+$0x1A000] =	vst v1  }
0x13a: {  	s10 =	sand.u32 $0x70, s9;
	s8 =	sand.u32 $0xFFFFFF80, s8;
	[tilespmem:v4+s28+$0x0] =	vst.idx.msk $0xffff, v2  }
0x13b: {  	s11 =	sadd.s32 $0x1, s11;
	s7 =	sor.u32 s10, s8;
	[tilespmem:v5+s28+$0x0] =	vst.idx.msk $0xffff, v3  }
0x13c: {  	[tilespmem:s7+$0x15000] =	vst v1  }
0x13d: {  	v2 =	vld [tilespmem:s7+$0x1B400];
	[tilespmem:s7+$0x15400] =	vst v1  }
0x13e: {  	[tilespmem:s7+$0x15800] =	vst v1  }
0x13f: {  	[tilespmem:s7+$0x15C00] =	vst v1  }
0x140: {  	[tilespmem:s7+$0x16000] =	vst v1  }
0x141: {  	[tilespmem:s7+$0x16400] =	vst v1  }
0x142: {  	[tilespmem:s7+$0x16800] =	vst v1;
	v2 =	vmax.f32 v2, $0.0e+00  }
0x143: {  	[tilespmem:s7+$0x16C00] =	vst v1;
	v2 =	vmin.f32 v2, $2.000000000e+01  }
0x144: {  	[tilespmem:s7+$0x17000] =	vst v1;
	v3 =	vtrunc.f32 v2  }
0x145: {  	[tilespmem:s7+$0x17400] =	vst v1;
	v3 =	vcvt.f32.s32 v3  }
0x146: {  	[tilespmem:s7+$0x17800] =	vst v1  }
0x147: {  	[tilespmem:s7+$0x17C00] =	vst v1;
	v4 =	vadd.s32 $0x1, v3  }
0x148: {  	[tilespmem:s7+$0x18000] =	vst v1;
	vm0 =	vlt.s32 v4, $0x14  }
0x149: {  	[tilespmem:s7+$0x18400] =	vst v1;
	v4 =	vnsel vm0, $0x14, v4  }
0x14a: {  	[tilespmem:s7+$0x18800] =	vst v1;
	v4 =	vshll.u32 v4, $0xA  }
0x14b: {  	v5 =	vor.u32 s10, v0;
	[tilespmem:s7+$0x18C00] =	vst v1;
	v6 =	vshll.u32 v3, $0xA;
	v4 =	vadd.s32 s8, v4  }
0x14c: {  	[tilespmem:s7+$0x19000] =	vst v1;
	v3 =	vcvt.s32.f32 v3;
	v6 =	vadd.s32 s8, v6;
	v4 =	vor.u32 v5, v4  }
0x14d: {  	[tilespmem:s7+$0x19400] =	vst v1;
	v5 =	vor.u32 v5, v6  }
0x14e: {  	[tilespmem:s7+$0x19800] =	vst v1;
	v2 =	vsub.f32 v2, v3  }
0x14f: {  	[tilespmem:s7+$0x19C00] =	vst v1;
	s11 =	sshll.u32 s15, $0x11;
	s9 =	sshll.u32 s16, $0xA  }
0x150: {  	[tilespmem:s7+$0x1A000] =	vst v1;
	s16 =	sadd.s32 s11, s9;
	v3 =	vsub.f32 $1.000000000e+00, v2  }
0x151: {  	s7 =	sshrl.u32 s16, $0x3;
	[tilespmem:v4+s28+$0x0] =	vst.idx.msk $0xffff, v2  }
0x152: {  	s7 =	sadd.s32 s3, s7;
	[tilespmem:v5+s28+$0x0] =	vst.idx.msk $0xffff, v3  }
0x153: {  	[hbm4b:s7+s18] =	stream.strided.scatter [tilespmem:s28], [sflag:$0x5], $0x5400, s19, s18, $0x38;
	[tilespmem:$0x1B800] =	vst v63  }
0x154: {  	s7 =	sadd.s32 $0x5, s15  }
0x155: {  	s9 =	smov.u32 s13;
	s8 =	sadd.s32 $0x1, s13;
	p0 =	sgt.s32 s7, $0x18  }
0x156: {  	s9 =	smov.u32 @p0 s8  }
0x157: {  	p0 =	sgt.s32 s9, $0x3  }
0x158: {  	p1 =	sgt.s32 @!p0 s7, $0x18  }
0x159: {  	s10 =	sadd.s32 @!p0 $0xFFFFFFEC, s15;
	p1 =	por !p1, p0  }
0x15a: {  	s10 =	smov.u32 @p1 s7;
	s7 =	sadd.s32 @!p0 s5, s9  }
0x15b: {  	s14 =	sadd.s32 $0x1, s14;
	s9 =	sshll.u32 @!p0 s10, $0x11;
	s7 =	sshll.u32 @!p0 s7, $0xA  }
0x15c: {  	p1 =	sne.s32 s14, $0x14;
	s7 =	sadd.s32 @!p0 s9, s7  }
.Ltmp5:
0x15d: {  	s7 =	sshrl.u32 @!p0 s7, $0x3;
	(pc) =	sbr.rel @p1 .LBB2_2-.Ltmp5, $4  }
0x15e: {  	s10 =	simm.s32 @!p0 $0x1B400;
	s9 =	simm.s32 @!p0 $0x0;
	s7 =	sadd.s32 @!p0 s2, s7  }
0x15f: {  	[tilespmem:s10], [sflag:$0xA] =	stream.linear.gather @!p0 [hbm4b:s7+s9], $0x400, $0x38;
	[tilespmem:$0x1B800] =	vst v63  }
0x160: {  	p0 =	seq.s32 s15, $0x18;
	s15 =	sadd.s32 $0x1, s15  }
0x161: {  	s13 =	smov.u32 @p0 s8;
	s15 =	simm.s32 @p0 $0x0  }
0x162: {  	_ =	swait.ge [sflag:s29], $0x5400  }
0x163: {  	[sflag:s29] =	ssyncset.done $0x0  }
0x164: {  	[sflag:s29] =	ssyncadd.s32 $0xFFFFAC00  }
0x165: {  	_ =	swait.ge [sflag:s30], $0x5400  }
0x166: {  	[sflag:s30] =	ssyncset.done $0x0  }
0x167: {  	[sflag:s30] =	ssyncadd.s32 $0xFFFFAC00  }
0x168: {  	_ =	swait.ge [sflag:s31], $0x5400  }
0x169: {  	[sflag:s31] =	ssyncset.done $0x0  }
0x16a: {  	[sflag:s31] =	ssyncadd.s32 $0xFFFFAC00  }
0x16b: {  	_ =	swait.ge [sflag:s0], $0x5400  }
0x16c: {  	[sflag:s0] =	ssyncset.done $0x0  }
0x16d: {  	[sflag:s0] =	ssyncadd.s32 $0xFFFFAC00  }
0x16e: {  	_ =	swait.ge [sflag:s1], $0x5400  }
0x16f: {  	s12 =	sadd.s32 $0x1, s12;
	s7 =	rddreg [dreg:$0x7]  }
0x170: {  	p0 =	sne.s32 s12, s7  }
.Ltmp6:
0x171: {  	_ = 	snop;
	(pc) =	sbr.rel @p0 .LBB2_1-.Ltmp6, $3  }
0x172: {  	_ =	sdelay $0x1  }
0x173: {  	[sflag:s1] =	ssyncset.done $0x0  }
0x174: {  	[sflag:s1] =	ssyncadd.s32 $0xFFFFAC00  }
0x175: {  	_ =	sfence.sel $0x180000  }
0x176: {  	[bflag:$0x0] =	sbarrier.arrive $0xFFFF  }
0x177: {  	_ =	strace $0x90000047  }
0x178: {  	s0 =	stileid.u32;
	[bflag:$0x2] =	sbarrier.arrive $0xFFFF  }
0x179: {  	p0 =	sne.s32 s0, $0x0;
	s0 =	rddreg [dreg:$0x2]  }
0x17a: {  	s0 =	sadd.s32 @!p0 $0x100000, s0  }
0x17b: {  	[sflag:s0] =	ssyncadd.tile.s32 @!p0 $0x1;
	_ =	shalt  }
.Lfunc_end2:
_tile_overlayer_lowered:
.L_overlay_start_2:
0x17c: {  	(tag) =	ssettag $0x2  }
0x17d: {  	s0 =	rddreg [dreg:$0x0];
	s2 =	stileid.u32  }
0x17e: {  	s1 =	rddreg [dreg:$0x1];
	p0 =	sne.s32 s2, $0x0  }
0x17f: {  	s3 =	rddreg [dreg:$0x2];
	[bflag:$0x3] =	sbarrier.arrive $0xFFFF;
	s2 =	simm.s32 @!p0 $0x1C0B  }
0x180: {  	[timem:s3], [sflag:s2] =	dma.local @!p0 [hbm:s0], s1  }
0x181: {  	s0 =	simm.s32 @!p0 $0xB  }
0x182: {  	_ =	swait.ge @!p0 [sflag:s0], s1  }
0x183: {  	s1 =	ssub.s32 @!p0 $0x0, s1;
	[sflag:s0] =	ssyncset.done @!p0 $0x0  }
0x184: {  	[sflag:s0] =	ssyncadd.s32 @!p0 s1  }
0x185: {  	[bflag:$0x3] =	sbarrier.arrive $0xFFFF  }
0x186: {  	_ =	shalt  }

</sc_bundles>
